<compile_context>
chip_gen: v7x
topology: tpu7x:2x2x1
jax: 0.10.2.dev20260603
libtpu: 0.0.44.dev20260713+nightly
codegen_flags: <defaults>
</compile_context>

<pallas_src>
import functools

import jax
import jax.numpy as jnp
from jax import lax
from jax.experimental import pallas as pl
from jax.experimental.pallas import tpu as pltpu
from jax.experimental.pallas import tpu_sc as plsc

HASH_BUCKETS = 250000
EMBED_DIM = 64
CHUNK = 128
K = 4
GROUP = K * CHUNK
LANES = 16
NW = 32


def _emb_body(n_groups, x_hbm, table_hbm, out_hbm,
              idx_a, idx_b, rows_a, rows_b,
              gsem_a, gsem_b, wsem_a, wsem_b):
    wid = lax.axis_index("s") * 2 + lax.axis_index("c")
    base_row = wid * (n_groups * GROUP)

    def load_idx(idx_s, g):
        row0 = base_row + g * GROUP
        pltpu.sync_copy(x_hbm.at[pl.ds(row0, GROUP)], idx_s)

        def mod_one(j, carry):
            sl = pl.ds(j * LANES, LANES)
            idx_s[sl] = lax.rem(idx_s[sl], HASH_BUCKETS)
            return carry

        lax.fori_loop(0, GROUP // LANES, mod_one, 0)

    def fire_gathers(idx_s, rows_s, gsem):
        for b in range(K):
            pltpu.async_copy(table_hbm.at[idx_s.at[pl.ds(b * CHUNK, CHUNK)]],
                             rows_s.at[pl.ds(b * CHUNK, CHUNK)], gsem)

    def drain_gathers(rows_s, gsem):
        pltpu.make_async_copy(out_hbm.at[pl.ds(base_row, GROUP)], rows_s,
                              gsem).wait()

    def fire_write(rows_s, wsem, g):
        row0 = base_row + g * GROUP
        pltpu.async_copy(rows_s, out_hbm.at[pl.ds(row0, GROUP)], wsem)

    def wait_write(rows_s, wsem):
        pltpu.make_async_copy(out_hbm.at[pl.ds(base_row, GROUP)], rows_s,
                              wsem).wait()

    load_idx(idx_a, 0)
    fire_gathers(idx_a, rows_a, gsem_a)
    load_idx(idx_b, 1)
    fire_gathers(idx_b, rows_b, gsem_b)

    def pair(i, carry):
        drain_gathers(rows_a, gsem_a)
        fire_write(rows_a, wsem_a, 2 * i)
        load_idx(idx_a, 2 * i + 2)
        wait_write(rows_a, wsem_a)
        fire_gathers(idx_a, rows_a, gsem_a)
        drain_gathers(rows_b, gsem_b)
        fire_write(rows_b, wsem_b, 2 * i + 1)
        load_idx(idx_b, 2 * i + 3)
        wait_write(rows_b, wsem_b)
        fire_gathers(idx_b, rows_b, gsem_b)
        return carry

    n_pairs = n_groups // 2
    lax.fori_loop(0, n_pairs - 1, pair, 0)

    drain_gathers(rows_a, gsem_a)
    fire_write(rows_a, wsem_a, n_groups - 2)
    drain_gathers(rows_b, gsem_b)
    fire_write(rows_b, wsem_b, n_groups - 1)
    wait_write(rows_a, wsem_a)
    wait_write(rows_b, wsem_b)


def kernel(x, table):
    rows, cols = x.shape
    b = rows * cols
    xf = x.reshape(b).astype(jnp.int32)
    assert b % (NW * GROUP) == 0
    n_groups = b // (NW * GROUP)
    assert n_groups % 2 == 0

    mesh = plsc.VectorSubcoreMesh(core_axis_name="c", subcore_axis_name="s")
    run = functools.partial(
        pl.kernel,
        mesh=mesh,
        compiler_params=pltpu.CompilerParams(use_tc_tiling_on_sc=False),
        out_type=jax.ShapeDtypeStruct((b, EMBED_DIM), jnp.float32),
        scratch_types=(
            [pltpu.VMEM((GROUP,), jnp.int32) for _ in range(2)]
            + [pltpu.VMEM((GROUP, EMBED_DIM), jnp.float32) for _ in range(2)]
            + [pltpu.SemaphoreType.DMA for _ in range(4)]
        ),
    )(functools.partial(_emb_body, n_groups))
    out = run(xf, table)
    return out.reshape(rows, cols, EMBED_DIM)

# --- scband reference (transcript-rebuilt; emitter-appended) ---
"""Pipeline reference for scband-pure-hash-embedding-73280732004438 (READ-ONLY COPY).

The authoritative reference and input builder live on the scoring server;
editing this copy changes nothing except your own understanding.
"""

import jax, jax.numpy as jnp
import numpy as np

HASH_BUCKETS = 250000
EMBED_DIM = 64

def setup_inputs(seed: int = 0) -> dict:
    key = jax.random.key(seed)
    k1, k2 = jax.random.split(key)
    x = jax.random.randint(k1, (16384, 100), 0, 1000000, dtype=jnp.int64 if jax.config.jax_enable_x64 else jnp.int32)
    table = jax.random.normal(k2, (HASH_BUCKETS, EMBED_DIM), dtype=jnp.float32)
    return {"x": x, "table": table}

def reference(x, table):
    hashed_ids = x % HASH_BUCKETS
    out = jnp.take(table, hashed_ids, axis=0)
    return out

if __name__ == "__main__":
    import jax
    _d = setup_inputs()
    print(jax.jit(kernel)(*tuple(_d.values())))

</pallas_src>

<mosaic_0001>
#map = affine_map<(d0, d1) -> (0)>
#map1 = affine_map<(d0, d1) -> (0, 0)>
module attributes {stable_mosaic.version = 14 : i64} {
  func.func @_emb_body(%arg0: i32, %arg1: i32, %arg2: memref<1638400xi32, #tpu.memory_space<hbm>>, %arg3: memref<250000x64xf32, #tpu.memory_space<hbm>>, %arg4: memref<1638400x64xf32, #tpu.memory_space<hbm>>, %arg5: memref<512xi32, #tpu.memory_space<vmem>>, %arg6: memref<512xi32, #tpu.memory_space<vmem>>, %arg7: memref<512x64xf32, #tpu.memory_space<vmem>>, %arg8: memref<512x64xf32, #tpu.memory_space<vmem>>, %arg9: memref<!tpu.dma_semaphore, #tpu.memory_space<semaphore_mem>>, %arg10: memref<!tpu.dma_semaphore, #tpu.memory_space<semaphore_mem>>, %arg11: memref<!tpu.dma_semaphore, #tpu.memory_space<semaphore_mem>>, %arg12: memref<!tpu.dma_semaphore, #tpu.memory_space<semaphore_mem>>) attributes {dimension_semantics = [#tpu.dimension_semantics<core_parallel>, #tpu.dimension_semantics<subcore_parallel>], iteration_bounds = array<i64: 2, 16>, scalar_prefetch = 0 : i64, scratch_operands = 8 : i64, tpu.core_type = #tpu.core_type<sc_vector_subcore>, window_params = [{transform_indices = #map}, {transform_indices = #map1}, {transform_indices = #map1}]} {
    %mul3A = arith.constant 2 : i32
    %mul3A_0 = arith.muli %arg1, %mul3A : i32
    %add3A = arith.addi %mul3A_0, %arg0 : i32
    %mul3A_1 = arith.constant 51200 : i32
    %mul3A_2 = arith.muli %add3A, %mul3A_1 : i32
    %add3A_3 = arith.constant 0 : i32
    %add3A_4 = arith.addi %mul3A_2, %add3A_3 : i32
    "tpu.region"() ({
      %run_scoped3A = tpu.sem_alloc : memref<!tpu.dma_semaphore, #tpu.memory_space<semaphore_mem>>
      %dma_start3A_114 = tpu.memref_slice %arg2[%add3A_4] : memref<1638400xi32, #tpu.memory_space<hbm>> -> memref<512xi32, #tpu.memory_space<hbm>>
      %dma_start3A_115 = tpu.memref_slice %arg2[%add3A_4] : memref<1638400xi32, #tpu.memory_space<hbm>> -> memref<512xi32, #tpu.memory_space<hbm>>
      tpu.enqueue_dma source(%dma_start3A_115 : memref<512xi32, #tpu.memory_space<hbm>>) target(%arg5 : memref<512xi32, #tpu.memory_space<vmem>>) target_semaphore(%run_scoped3A : memref<!tpu.dma_semaphore, #tpu.memory_space<semaphore_mem>>)
      %dma_wait3A_116 = tpu.memref_slice %arg2[%add3A_4] : memref<1638400xi32, #tpu.memory_space<hbm>> -> memref<512xi32, #tpu.memory_space<hbm>>
      %dma_wait3A_117 = tpu.memref_slice %arg2[%add3A_4] : memref<1638400xi32, #tpu.memory_space<hbm>> -> memref<512xi32, #tpu.memory_space<hbm>>
      tpu.wait_dma2 semaphore(%run_scoped3A : memref<!tpu.dma_semaphore, #tpu.memory_space<semaphore_mem>>) src(%dma_wait3A_117 : memref<512xi32, #tpu.memory_space<hbm>>) dst(%arg5 : memref<512xi32, #tpu.memory_space<vmem>>)
      tpu.yield
    }) : () -> ()
    %scan3A = arith.constant 0 : i32
    %scan3A_5 = arith.constant 0 : i32
    %scan3A_6 = arith.constant 32 : i32
    %scan3A_7 = arith.addi %scan3A_5, %scan3A_6 : i32
    %scan3A_8 = arith.constant 1 : i32
    scf.for %scan3A_114 = %scan3A_5 to %scan3A_7 step %scan3A_8  : i32 {
      %mul3A_115 = arith.constant 16 : i32
      %mul3A_116 = arith.muli %scan3A_114, %mul3A_115 : i32
      %get3A = arith.index_cast %mul3A_116 : i32 to index
      %get3A_117 = tpu.vector_load %arg5[%get3A] {strides = array<i32>} : memref<512xi32, #tpu.memory_space<vmem>>, vector<16xi32>,
      %get3A_118 = vector.shape_cast %get3A_117 : vector<16xi32> to vector<16xi32>
      %rem3A = arith.constant 250000 : i32
      %rem3A_119 = vector.broadcast %rem3A : i32 to vector<16xi32>
      %rem3A_120 = arith.remsi %get3A_118, %rem3A_119 : vector<16xi32>
      %swap3A = arith.index_cast %mul3A_116 : i32 to index
      %swap3A_121 = tpu.vector_load %arg5[%swap3A] {strides = array<i32>} : memref<512xi32, #tpu.memory_space<vmem>>, vector<16xi32>,
      %swap3A_122 = vector.shape_cast %swap3A_121 : vector<16xi32> to vector<16xi32>
      %swap3A_123 = vector.shape_cast %rem3A_120 : vector<16xi32> to vector<16xi32>
      tpu.vector_store %arg5[%swap3A], %swap3A_123 {strides = array<i32>} : memref<512xi32, #tpu.memory_space<vmem>>, vector<16xi32>,
    }
    %scan3A_9 = arith.constant 32 : i32
    %dma_start3A = arith.constant 0 : i32
    %dma_start3A_10 = arith.constant 0 : i32
    %dma_start3A_11 = tpu.memref_slice %arg7[%dma_start3A, %dma_start3A_10] : memref<512x64xf32, #tpu.memory_space<vmem>> -> memref<128x64xf32, #tpu.memory_space<vmem>>
    %dma_start3A_12 = arith.constant 0 : i32
    %dma_start3A_13 = tpu.memref_slice %arg5[%dma_start3A_12] : memref<512xi32, #tpu.memory_space<vmem>> -> memref<128xi32, #tpu.memory_space<vmem>>
    %dma_start3A_14 = arith.constant 0 : i32
    %dma_start3A_15 = arith.constant 0 : i32
    %dma_start3A_16 = tpu.memref_slice %arg3[%dma_start3A_14, %dma_start3A_15] : memref<250000x64xf32, #tpu.memory_space<hbm>> -> memref<250000x64xf32, #tpu.memory_space<hbm>>
    tpu.enqueue_indirect_dma source(%dma_start3A_16 : memref<250000x64xf32, #tpu.memory_space<hbm>>) target(%dma_start3A_11 : memref<128x64xf32, #tpu.memory_space<vmem>>) offsets(%dma_start3A_13 : memref<128xi32, #tpu.memory_space<vmem>>) semaphore(%arg9 : memref<!tpu.dma_semaphore, #tpu.memory_space<semaphore_mem>>)
    %dma_start3A_17 = arith.constant 128 : i32
    %dma_start3A_18 = arith.constant 0 : i32
    %dma_start3A_19 = tpu.memref_slice %arg7[%dma_start3A_17, %dma_start3A_18] : memref<512x64xf32, #tpu.memory_space<vmem>> -> memref<128x64xf32, #tpu.memory_space<vmem>>
    %dma_start3A_20 = arith.constant 128 : i32
    %dma_start3A_21 = tpu.memref_slice %arg5[%dma_start3A_20] : memref<512xi32, #tpu.memory_space<vmem>> -> memref<128xi32, #tpu.memory_space<vmem>>
    %dma_start3A_22 = arith.constant 0 : i32
    %dma_start3A_23 = arith.constant 0 : i32
    %dma_start3A_24 = tpu.memref_slice %arg3[%dma_start3A_22, %dma_start3A_23] : memref<250000x64xf32, #tpu.memory_space<hbm>> -> memref<250000x64xf32, #tpu.memory_space<hbm>>
    tpu.enqueue_indirect_dma source(%dma_start3A_24 : memref<250000x64xf32, #tpu.memory_space<hbm>>) target(%dma_start3A_19 : memref<128x64xf32, #tpu.memory_space<vmem>>) offsets(%dma_start3A_21 : memref<128xi32, #tpu.memory_space<vmem>>) semaphore(%arg9 : memref<!tpu.dma_semaphore, #tpu.memory_space<semaphore_mem>>)
    %dma_start3A_25 = arith.constant 256 : i32
    %dma_start3A_26 = arith.constant 0 : i32
    %dma_start3A_27 = tpu.memref_slice %arg7[%dma_start3A_25, %dma_start3A_26] : memref<512x64xf32, #tpu.memory_space<vmem>> -> memref<128x64xf32, #tpu.memory_space<vmem>>
    %dma_start3A_28 = arith.constant 256 : i32
    %dma_start3A_29 = tpu.memref_slice %arg5[%dma_start3A_28] : memref<512xi32, #tpu.memory_space<vmem>> -> memref<128xi32, #tpu.memory_space<vmem>>
    %dma_start3A_30 = arith.constant 0 : i32
    %dma_start3A_31 = arith.constant 0 : i32
    %dma_start3A_32 = tpu.memref_slice %arg3[%dma_start3A_30, %dma_start3A_31] : memref<250000x64xf32, #tpu.memory_space<hbm>> -> memref<250000x64xf32, #tpu.memory_space<hbm>>
    tpu.enqueue_indirect_dma source(%dma_start3A_32 : memref<250000x64xf32, #tpu.memory_space<hbm>>) target(%dma_start3A_27 : memref<128x64xf32, #tpu.memory_space<vmem>>) offsets(%dma_start3A_29 : memref<128xi32, #tpu.memory_space<vmem>>) semaphore(%arg9 : memref<!tpu.dma_semaphore, #tpu.memory_space<semaphore_mem>>)
    %dma_start3A_33 = arith.constant 384 : i32
    %dma_start3A_34 = arith.constant 0 : i32
    %dma_start3A_35 = tpu.memref_slice %arg7[%dma_start3A_33, %dma_start3A_34] : memref<512x64xf32, #tpu.memory_space<vmem>> -> memref<128x64xf32, #tpu.memory_space<vmem>>
    %dma_start3A_36 = arith.constant 384 : i32
    %dma_start3A_37 = tpu.memref_slice %arg5[%dma_start3A_36] : memref<512xi32, #tpu.memory_space<vmem>> -> memref<128xi32, #tpu.memory_space<vmem>>
    %dma_start3A_38 = arith.constant 0 : i32
    %dma_start3A_39 = arith.constant 0 : i32
    %dma_start3A_40 = tpu.memref_slice %arg3[%dma_start3A_38, %dma_start3A_39] : memref<250000x64xf32, #tpu.memory_space<hbm>> -> memref<250000x64xf32, #tpu.memory_space<hbm>>
    tpu.enqueue_indirect_dma source(%dma_start3A_40 : memref<250000x64xf32, #tpu.memory_space<hbm>>) target(%dma_start3A_35 : memref<128x64xf32, #tpu.memory_space<vmem>>) offsets(%dma_start3A_37 : memref<128xi32, #tpu.memory_space<vmem>>) semaphore(%arg9 : memref<!tpu.dma_semaphore, #tpu.memory_space<semaphore_mem>>)
    %add3A_41 = arith.constant 512 : i32
    %add3A_42 = arith.addi %mul3A_2, %add3A_41 : i32
    "tpu.region"() ({
      %run_scoped3A = tpu.sem_alloc : memref<!tpu.dma_semaphore, #tpu.memory_space<semaphore_mem>>
      %dma_start3A_114 = tpu.memref_slice %arg2[%add3A_42] : memref<1638400xi32, #tpu.memory_space<hbm>> -> memref<512xi32, #tpu.memory_space<hbm>>
      %dma_start3A_115 = tpu.memref_slice %arg2[%add3A_42] : memref<1638400xi32, #tpu.memory_space<hbm>> -> memref<512xi32, #tpu.memory_space<hbm>>
      tpu.enqueue_dma source(%dma_start3A_115 : memref<512xi32, #tpu.memory_space<hbm>>) target(%arg6 : memref<512xi32, #tpu.memory_space<vmem>>) target_semaphore(%run_scoped3A : memref<!tpu.dma_semaphore, #tpu.memory_space<semaphore_mem>>)
      %dma_wait3A_116 = tpu.memref_slice %arg2[%add3A_42] : memref<1638400xi32, #tpu.memory_space<hbm>> -> memref<512xi32, #tpu.memory_space<hbm>>
      %dma_wait3A_117 = tpu.memref_slice %arg2[%add3A_42] : memref<1638400xi32, #tpu.memory_space<hbm>> -> memref<512xi32, #tpu.memory_space<hbm>>
      tpu.wait_dma2 semaphore(%run_scoped3A : memref<!tpu.dma_semaphore, #tpu.memory_space<semaphore_mem>>) src(%dma_wait3A_117 : memref<512xi32, #tpu.memory_space<hbm>>) dst(%arg6 : memref<512xi32, #tpu.memory_space<vmem>>)
      tpu.yield
    }) : () -> ()
    %scan3A_43 = arith.constant 0 : i32
    %scan3A_44 = arith.constant 0 : i32
    %scan3A_45 = arith.constant 32 : i32
    %scan3A_46 = arith.addi %scan3A_44, %scan3A_45 : i32
    %scan3A_47 = arith.constant 1 : i32
    scf.for %scan3A_114 = %scan3A_44 to %scan3A_46 step %scan3A_47  : i32 {
      %mul3A_115 = arith.constant 16 : i32
      %mul3A_116 = arith.muli %scan3A_114, %mul3A_115 : i32
      %get3A = arith.index_cast %mul3A_116 : i32 to index
      %get3A_117 = tpu.vector_load %arg6[%get3A] {strides = array<i32>} : memref<512xi32, #tpu.memory_space<vmem>>, vector<16xi32>,
      %get3A_118 = vector.shape_cast %get3A_117 : vector<16xi32> to vector<16xi32>
      %rem3A = arith.constant 250000 : i32
      %rem3A_119 = vector.broadcast %rem3A : i32 to vector<16xi32>
      %rem3A_120 = arith.remsi %get3A_118, %rem3A_119 : vector<16xi32>
      %swap3A = arith.index_cast %mul3A_116 : i32 to index
      %swap3A_121 = tpu.vector_load %arg6[%swap3A] {strides = array<i32>} : memref<512xi32, #tpu.memory_space<vmem>>, vector<16xi32>,
      %swap3A_122 = vector.shape_cast %swap3A_121 : vector<16xi32> to vector<16xi32>
      %swap3A_123 = vector.shape_cast %rem3A_120 : vector<16xi32> to vector<16xi32>
      tpu.vector_store %arg6[%swap3A], %swap3A_123 {strides = array<i32>} : memref<512xi32, #tpu.memory_space<vmem>>, vector<16xi32>,
    }
    %scan3A_48 = arith.constant 32 : i32
    %dma_start3A_49 = arith.constant 0 : i32
    %dma_start3A_50 = arith.constant 0 : i32
    %dma_start3A_51 = tpu.memref_slice %arg8[%dma_start3A_49, %dma_start3A_50] : memref<512x64xf32, #tpu.memory_space<vmem>> -> memref<128x64xf32, #tpu.memory_space<vmem>>
    %dma_start3A_52 = arith.constant 0 : i32
    %dma_start3A_53 = tpu.memref_slice %arg6[%dma_start3A_52] : memref<512xi32, #tpu.memory_space<vmem>> -> memref<128xi32, #tpu.memory_space<vmem>>
    %dma_start3A_54 = arith.constant 0 : i32
    %dma_start3A_55 = arith.constant 0 : i32
    %dma_start3A_56 = tpu.memref_slice %arg3[%dma_start3A_54, %dma_start3A_55] : memref<250000x64xf32, #tpu.memory_space<hbm>> -> memref<250000x64xf32, #tpu.memory_space<hbm>>
    tpu.enqueue_indirect_dma source(%dma_start3A_56 : memref<250000x64xf32, #tpu.memory_space<hbm>>) target(%dma_start3A_51 : memref<128x64xf32, #tpu.memory_space<vmem>>) offsets(%dma_start3A_53 : memref<128xi32, #tpu.memory_space<vmem>>) semaphore(%arg10 : memref<!tpu.dma_semaphore, #tpu.memory_space<semaphore_mem>>)
    %dma_start3A_57 = arith.constant 128 : i32
    %dma_start3A_58 = arith.constant 0 : i32
    %dma_start3A_59 = tpu.memref_slice %arg8[%dma_start3A_57, %dma_start3A_58] : memref<512x64xf32, #tpu.memory_space<vmem>> -> memref<128x64xf32, #tpu.memory_space<vmem>>
    %dma_start3A_60 = arith.constant 128 : i32
    %dma_start3A_61 = tpu.memref_slice %arg6[%dma_start3A_60] : memref<512xi32, #tpu.memory_space<vmem>> -> memref<128xi32, #tpu.memory_space<vmem>>
    %dma_start3A_62 = arith.constant 0 : i32
    %dma_start3A_63 = arith.constant 0 : i32
    %dma_start3A_64 = tpu.memref_slice %arg3[%dma_start3A_62, %dma_start3A_63] : memref<250000x64xf32, #tpu.memory_space<hbm>> -> memref<250000x64xf32, #tpu.memory_space<hbm>>
    tpu.enqueue_indirect_dma source(%dma_start3A_64 : memref<250000x64xf32, #tpu.memory_space<hbm>>) target(%dma_start3A_59 : memref<128x64xf32, #tpu.memory_space<vmem>>) offsets(%dma_start3A_61 : memref<128xi32, #tpu.memory_space<vmem>>) semaphore(%arg10 : memref<!tpu.dma_semaphore, #tpu.memory_space<semaphore_mem>>)
    %dma_start3A_65 = arith.constant 256 : i32
    %dma_start3A_66 = arith.constant 0 : i32
    %dma_start3A_67 = tpu.memref_slice %arg8[%dma_start3A_65, %dma_start3A_66] : memref<512x64xf32, #tpu.memory_space<vmem>> -> memref<128x64xf32, #tpu.memory_space<vmem>>
    %dma_start3A_68 = arith.constant 256 : i32
    %dma_start3A_69 = tpu.memref_slice %arg6[%dma_start3A_68] : memref<512xi32, #tpu.memory_space<vmem>> -> memref<128xi32, #tpu.memory_space<vmem>>
    %dma_start3A_70 = arith.constant 0 : i32
    %dma_start3A_71 = arith.constant 0 : i32
    %dma_start3A_72 = tpu.memref_slice %arg3[%dma_start3A_70, %dma_start3A_71] : memref<250000x64xf32, #tpu.memory_space<hbm>> -> memref<250000x64xf32, #tpu.memory_space<hbm>>
    tpu.enqueue_indirect_dma source(%dma_start3A_72 : memref<250000x64xf32, #tpu.memory_space<hbm>>) target(%dma_start3A_67 : memref<128x64xf32, #tpu.memory_space<vmem>>) offsets(%dma_start3A_69 : memref<128xi32, #tpu.memory_space<vmem>>) semaphore(%arg10 : memref<!tpu.dma_semaphore, #tpu.memory_space<semaphore_mem>>)
    %dma_start3A_73 = arith.constant 384 : i32
    %dma_start3A_74 = arith.constant 0 : i32
    %dma_start3A_75 = tpu.memref_slice %arg8[%dma_start3A_73, %dma_start3A_74] : memref<512x64xf32, #tpu.memory_space<vmem>> -> memref<128x64xf32, #tpu.memory_space<vmem>>
    %dma_start3A_76 = arith.constant 384 : i32
    %dma_start3A_77 = tpu.memref_slice %arg6[%dma_start3A_76] : memref<512xi32, #tpu.memory_space<vmem>> -> memref<128xi32, #tpu.memory_space<vmem>>
    %dma_start3A_78 = arith.constant 0 : i32
    %dma_start3A_79 = arith.constant 0 : i32
    %dma_start3A_80 = tpu.memref_slice %arg3[%dma_start3A_78, %dma_start3A_79] : memref<250000x64xf32, #tpu.memory_space<hbm>> -> memref<250000x64xf32, #tpu.memory_space<hbm>>
    tpu.enqueue_indirect_dma source(%dma_start3A_80 : memref<250000x64xf32, #tpu.memory_space<hbm>>) target(%dma_start3A_75 : memref<128x64xf32, #tpu.memory_space<vmem>>) offsets(%dma_start3A_77 : memref<128xi32, #tpu.memory_space<vmem>>) semaphore(%arg10 : memref<!tpu.dma_semaphore, #tpu.memory_space<semaphore_mem>>)
    %scan3A_81 = arith.constant 0 : i32
    %scan3A_82 = arith.constant 0 : i32
    %scan3A_83 = arith.constant 49 : i32
    %scan3A_84 = arith.addi %scan3A_82, %scan3A_83 : i32
    %scan3A_85 = arith.constant 1 : i32
    scf.for %scan3A_114 = %scan3A_82 to %scan3A_84 step %scan3A_85  : i32 {
      %dma_wait3A_115 = arith.constant 0 : i32
      %dma_wait3A_116 = tpu.memref_slice %arg4[%mul3A_2, %dma_wait3A_115] : memref<1638400x64xf32, #tpu.memory_space<hbm>> -> memref<512x64xf32, #tpu.memory_space<hbm>>
      %dma_wait3A_117 = arith.constant 0 : i32
      %dma_wait3A_118 = tpu.memref_slice %arg4[%mul3A_2, %dma_wait3A_117] : memref<1638400x64xf32, #tpu.memory_space<hbm>> -> memref<512x64xf32, #tpu.memory_space<hbm>>
      tpu.wait_dma2 semaphore(%arg9 : memref<!tpu.dma_semaphore, #tpu.memory_space<semaphore_mem>>) src(%dma_wait3A_118 : memref<512x64xf32, #tpu.memory_space<hbm>>) dst(%arg7 : memref<512x64xf32, #tpu.memory_space<vmem>>)
      %mul3A_119 = arith.constant 2 : i32
      %mul3A_120 = arith.muli %mul3A_119, %scan3A_114 : i32
      %mul3A_121 = arith.constant 512 : i32
      %mul3A_122 = arith.muli %mul3A_120, %mul3A_121 : i32
      %add3A_123 = arith.addi %mul3A_2, %mul3A_122 : i32
      %dma_start3A_124 = arith.constant 0 : i32
      %dma_start3A_125 = tpu.memref_slice %arg4[%add3A_123, %dma_start3A_124] : memref<1638400x64xf32, #tpu.memory_space<hbm>> -> memref<512x64xf32, #tpu.memory_space<hbm>>
      %dma_start3A_126 = arith.constant 0 : i32
      %dma_start3A_127 = tpu.memref_slice %arg4[%add3A_123, %dma_start3A_126] : memref<1638400x64xf32, #tpu.memory_space<hbm>> -> memref<512x64xf32, #tpu.memory_space<hbm>>
      tpu.enqueue_dma source(%arg7 : memref<512x64xf32, #tpu.memory_space<vmem>>) target(%dma_start3A_127 : memref<512x64xf32, #tpu.memory_space<hbm>>) target_semaphore(%arg11 : memref<!tpu.dma_semaphore, #tpu.memory_space<semaphore_mem>>)
      %mul3A_128 = arith.constant 2 : i32
      %mul3A_129 = arith.muli %mul3A_128, %scan3A_114 : i32
      %add3A_130 = arith.constant 2 : i32
      %add3A_131 = arith.addi %mul3A_129, %add3A_130 : i32
      %mul3A_132 = arith.constant 512 : i32
      %mul3A_133 = arith.muli %add3A_131, %mul3A_132 : i32
      %add3A_134 = arith.addi %mul3A_2, %mul3A_133 : i32
      "tpu.region"() ({
        %run_scoped3A = tpu.sem_alloc : memref<!tpu.dma_semaphore, #tpu.memory_space<semaphore_mem>>
        %dma_start3A_241 = tpu.memref_slice %arg2[%add3A_134] : memref<1638400xi32, #tpu.memory_space<hbm>> -> memref<512xi32, #tpu.memory_space<hbm>>
        %dma_start3A_242 = tpu.memref_slice %arg2[%add3A_134] : memref<1638400xi32, #tpu.memory_space<hbm>> -> memref<512xi32, #tpu.memory_space<hbm>>
        tpu.enqueue_dma source(%dma_start3A_242 : memref<512xi32, #tpu.memory_space<hbm>>) target(%arg5 : memref<512xi32, #tpu.memory_space<vmem>>) target_semaphore(%run_scoped3A : memref<!tpu.dma_semaphore, #tpu.memory_space<semaphore_mem>>)
        %dma_wait3A_243 = tpu.memref_slice %arg2[%add3A_134] : memref<1638400xi32, #tpu.memory_space<hbm>> -> memref<512xi32, #tpu.memory_space<hbm>>
        %dma_wait3A_244 = tpu.memref_slice %arg2[%add3A_134] : memref<1638400xi32, #tpu.memory_space<hbm>> -> memref<512xi32, #tpu.memory_space<hbm>>
        tpu.wait_dma2 semaphore(%run_scoped3A : memref<!tpu.dma_semaphore, #tpu.memory_space<semaphore_mem>>) src(%dma_wait3A_244 : memref<512xi32, #tpu.memory_space<hbm>>) dst(%arg5 : memref<512xi32, #tpu.memory_space<vmem>>)
        tpu.yield
      }) : () -> ()
      %scan3A_135 = arith.constant 0 : i32
      %scan3A_136 = arith.constant 0 : i32
      %scan3A_137 = arith.constant 32 : i32
      %scan3A_138 = arith.addi %scan3A_136, %scan3A_137 : i32
      %scan3A_139 = arith.constant 1 : i32
      scf.for %scan3A_241 = %scan3A_136 to %scan3A_138 step %scan3A_139  : i32 {
        %mul3A_242 = arith.constant 16 : i32
        %mul3A_243 = arith.muli %scan3A_241, %mul3A_242 : i32
        %get3A = arith.index_cast %mul3A_243 : i32 to index
        %get3A_244 = tpu.vector_load %arg5[%get3A] {strides = array<i32>} : memref<512xi32, #tpu.memory_space<vmem>>, vector<16xi32>,
        %get3A_245 = vector.shape_cast %get3A_244 : vector<16xi32> to vector<16xi32>
        %rem3A = arith.constant 250000 : i32
        %rem3A_246 = vector.broadcast %rem3A : i32 to vector<16xi32>
        %rem3A_247 = arith.remsi %get3A_245, %rem3A_246 : vector<16xi32>
        %swap3A = arith.index_cast %mul3A_243 : i32 to index
        %swap3A_248 = tpu.vector_load %arg5[%swap3A] {strides = array<i32>} : memref<512xi32, #tpu.memory_space<vmem>>, vector<16xi32>,
        %swap3A_249 = vector.shape_cast %swap3A_248 : vector<16xi32> to vector<16xi32>
        %swap3A_250 = vector.shape_cast %rem3A_247 : vector<16xi32> to vector<16xi32>
        tpu.vector_store %arg5[%swap3A], %swap3A_250 {strides = array<i32>} : memref<512xi32, #tpu.memory_space<vmem>>, vector<16xi32>,
      }
      %scan3A_140 = arith.constant 32 : i32
      %dma_wait3A_141 = arith.constant 0 : i32
      %dma_wait3A_142 = tpu.memref_slice %arg4[%mul3A_2, %dma_wait3A_141] : memref<1638400x64xf32, #tpu.memory_space<hbm>> -> memref<512x64xf32, #tpu.memory_space<hbm>>
      %dma_wait3A_143 = arith.constant 0 : i32
      %dma_wait3A_144 = tpu.memref_slice %arg4[%mul3A_2, %dma_wait3A_143] : memref<1638400x64xf32, #tpu.memory_space<hbm>> -> memref<512x64xf32, #tpu.memory_space<hbm>>
      tpu.wait_dma2 semaphore(%arg11 : memref<!tpu.dma_semaphore, #tpu.memory_space<semaphore_mem>>) src(%dma_wait3A_144 : memref<512x64xf32, #tpu.memory_space<hbm>>) dst(%arg7 : memref<512x64xf32, #tpu.memory_space<vmem>>)
      %dma_start3A_145 = arith.constant 0 : i32
      %dma_start3A_146 = arith.constant 0 : i32
      %dma_start3A_147 = tpu.memref_slice %arg7[%dma_start3A_145, %dma_start3A_146] : memref<512x64xf32, #tpu.memory_space<vmem>> -> memref<128x64xf32, #tpu.memory_space<vmem>>
      %dma_start3A_148 = arith.constant 0 : i32
      %dma_start3A_149 = tpu.memref_slice %arg5[%dma_start3A_148] : memref<512xi32, #tpu.memory_space<vmem>> -> memref<128xi32, #tpu.memory_space<vmem>>
      %dma_start3A_150 = arith.constant 0 : i32
      %dma_start3A_151 = arith.constant 0 : i32
      %dma_start3A_152 = tpu.memref_slice %arg3[%dma_start3A_150, %dma_start3A_151] : memref<250000x64xf32, #tpu.memory_space<hbm>> -> memref<250000x64xf32, #tpu.memory_space<hbm>>
      tpu.enqueue_indirect_dma source(%dma_start3A_152 : memref<250000x64xf32, #tpu.memory_space<hbm>>) target(%dma_start3A_147 : memref<128x64xf32, #tpu.memory_space<vmem>>) offsets(%dma_start3A_149 : memref<128xi32, #tpu.memory_space<vmem>>) semaphore(%arg9 : memref<!tpu.dma_semaphore, #tpu.memory_space<semaphore_mem>>)
      %dma_start3A_153 = arith.constant 128 : i32
      %dma_start3A_154 = arith.constant 0 : i32
      %dma_start3A_155 = tpu.memref_slice %arg7[%dma_start3A_153, %dma_start3A_154] : memref<512x64xf32, #tpu.memory_space<vmem>> -> memref<128x64xf32, #tpu.memory_space<vmem>>
      %dma_start3A_156 = arith.constant 128 : i32
      %dma_start3A_157 = tpu.memref_slice %arg5[%dma_start3A_156] : memref<512xi32, #tpu.memory_space<vmem>> -> memref<128xi32, #tpu.memory_space<vmem>>
      %dma_start3A_158 = arith.constant 0 : i32
      %dma_start3A_159 = arith.constant 0 : i32
      %dma_start3A_160 = tpu.memref_slice %arg3[%dma_start3A_158, %dma_start3A_159] : memref<250000x64xf32, #tpu.memory_space<hbm>> -> memref<250000x64xf32, #tpu.memory_space<hbm>>
      tpu.enqueue_indirect_dma source(%dma_start3A_160 : memref<250000x64xf32, #tpu.memory_space<hbm>>) target(%dma_start3A_155 : memref<128x64xf32, #tpu.memory_space<vmem>>) offsets(%dma_start3A_157 : memref<128xi32, #tpu.memory_space<vmem>>) semaphore(%arg9 : memref<!tpu.dma_semaphore, #tpu.memory_space<semaphore_mem>>)
      %dma_start3A_161 = arith.constant 256 : i32
      %dma_start3A_162 = arith.constant 0 : i32
      %dma_start3A_163 = tpu.memref_slice %arg7[%dma_start3A_161, %dma_start3A_162] : memref<512x64xf32, #tpu.memory_space<vmem>> -> memref<128x64xf32, #tpu.memory_space<vmem>>
      %dma_start3A_164 = arith.constant 256 : i32
      %dma_start3A_165 = tpu.memref_slice %arg5[%dma_start3A_164] : memref<512xi32, #tpu.memory_space<vmem>> -> memref<128xi32, #tpu.memory_space<vmem>>
      %dma_start3A_166 = arith.constant 0 : i32
      %dma_start3A_167 = arith.constant 0 : i32
      %dma_start3A_168 = tpu.memref_slice %arg3[%dma_start3A_166, %dma_start3A_167] : memref<250000x64xf32, #tpu.memory_space<hbm>> -> memref<250000x64xf32, #tpu.memory_space<hbm>>
      tpu.enqueue_indirect_dma source(%dma_start3A_168 : memref<250000x64xf32, #tpu.memory_space<hbm>>) target(%dma_start3A_163 : memref<128x64xf32, #tpu.memory_space<vmem>>) offsets(%dma_start3A_165 : memref<128xi32, #tpu.memory_space<vmem>>) semaphore(%arg9 : memref<!tpu.dma_semaphore, #tpu.memory_space<semaphore_mem>>)
      %dma_start3A_169 = arith.constant 384 : i32
      %dma_start3A_170 = arith.constant 0 : i32
      %dma_start3A_171 = tpu.memref_slice %arg7[%dma_start3A_169, %dma_start3A_170] : memref<512x64xf32, #tpu.memory_space<vmem>> -> memref<128x64xf32, #tpu.memory_space<vmem>>
      %dma_start3A_172 = arith.constant 384 : i32
      %dma_start3A_173 = tpu.memref_slice %arg5[%dma_start3A_172] : memref<512xi32, #tpu.memory_space<vmem>> -> memref<128xi32, #tpu.memory_space<vmem>>
      %dma_start3A_174 = arith.constant 0 : i32
      %dma_start3A_175 = arith.constant 0 : i32
      %dma_start3A_176 = tpu.memref_slice %arg3[%dma_start3A_174, %dma_start3A_175] : memref<250000x64xf32, #tpu.memory_space<hbm>> -> memref<250000x64xf32, #tpu.memory_space<hbm>>
      tpu.enqueue_indirect_dma source(%dma_start3A_176 : memref<250000x64xf32, #tpu.memory_space<hbm>>) target(%dma_start3A_171 : memref<128x64xf32, #tpu.memory_space<vmem>>) offsets(%dma_start3A_173 : memref<128xi32, #tpu.memory_space<vmem>>) semaphore(%arg9 : memref<!tpu.dma_semaphore, #tpu.memory_space<semaphore_mem>>)
      %dma_wait3A_177 = arith.constant 0 : i32
      %dma_wait3A_178 = tpu.memref_slice %arg4[%mul3A_2, %dma_wait3A_177] : memref<1638400x64xf32, #tpu.memory_space<hbm>> -> memref<512x64xf32, #tpu.memory_space<hbm>>
      %dma_wait3A_179 = arith.constant 0 : i32
      %dma_wait3A_180 = tpu.memref_slice %arg4[%mul3A_2, %dma_wait3A_179] : memref<1638400x64xf32, #tpu.memory_space<hbm>> -> memref<512x64xf32, #tpu.memory_space<hbm>>
      tpu.wait_dma2 semaphore(%arg10 : memref<!tpu.dma_semaphore, #tpu.memory_space<semaphore_mem>>) src(%dma_wait3A_180 : memref<512x64xf32, #tpu.memory_space<hbm>>) dst(%arg8 : memref<512x64xf32, #tpu.memory_space<vmem>>)
      %mul3A_181 = arith.constant 2 : i32
      %mul3A_182 = arith.muli %mul3A_181, %scan3A_114 : i32
      %add3A_183 = arith.constant 1 : i32
      %add3A_184 = arith.addi %mul3A_182, %add3A_183 : i32
      %mul3A_185 = arith.constant 512 : i32
      %mul3A_186 = arith.muli %add3A_184, %mul3A_185 : i32
      %add3A_187 = arith.addi %mul3A_2, %mul3A_186 : i32
      %dma_start3A_188 = arith.constant 0 : i32
      %dma_start3A_189 = tpu.memref_slice %arg4[%add3A_187, %dma_start3A_188] : memref<1638400x64xf32, #tpu.memory_space<hbm>> -> memref<512x64xf32, #tpu.memory_space<hbm>>
      %dma_start3A_190 = arith.constant 0 : i32
      %dma_start3A_191 = tpu.memref_slice %arg4[%add3A_187, %dma_start3A_190] : memref<1638400x64xf32, #tpu.memory_space<hbm>> -> memref<512x64xf32, #tpu.memory_space<hbm>>
      tpu.enqueue_dma source(%arg8 : memref<512x64xf32, #tpu.memory_space<vmem>>) target(%dma_start3A_191 : memref<512x64xf32, #tpu.memory_space<hbm>>) target_semaphore(%arg12 : memref<!tpu.dma_semaphore, #tpu.memory_space<semaphore_mem>>)
      %mul3A_192 = arith.constant 2 : i32
      %mul3A_193 = arith.muli %mul3A_192, %scan3A_114 : i32
      %add3A_194 = arith.constant 3 : i32
      %add3A_195 = arith.addi %mul3A_193, %add3A_194 : i32
      %mul3A_196 = arith.constant 512 : i32
      %mul3A_197 = arith.muli %add3A_195, %mul3A_196 : i32
      %add3A_198 = arith.addi %mul3A_2, %mul3A_197 : i32
      "tpu.region"() ({
        %run_scoped3A = tpu.sem_alloc : memref<!tpu.dma_semaphore, #tpu.memory_space<semaphore_mem>>
        %dma_start3A_241 = tpu.memref_slice %arg2[%add3A_198] : memref<1638400xi32, #tpu.memory_space<hbm>> -> memref<512xi32, #tpu.memory_space<hbm>>
        %dma_start3A_242 = tpu.memref_slice %arg2[%add3A_198] : memref<1638400xi32, #tpu.memory_space<hbm>> -> memref<512xi32, #tpu.memory_space<hbm>>
        tpu.enqueue_dma source(%dma_start3A_242 : memref<512xi32, #tpu.memory_space<hbm>>) target(%arg6 : memref<512xi32, #tpu.memory_space<vmem>>) target_semaphore(%run_scoped3A : memref<!tpu.dma_semaphore, #tpu.memory_space<semaphore_mem>>)
        %dma_wait3A_243 = tpu.memref_slice %arg2[%add3A_198] : memref<1638400xi32, #tpu.memory_space<hbm>> -> memref<512xi32, #tpu.memory_space<hbm>>
        %dma_wait3A_244 = tpu.memref_slice %arg2[%add3A_198] : memref<1638400xi32, #tpu.memory_space<hbm>> -> memref<512xi32, #tpu.memory_space<hbm>>
        tpu.wait_dma2 semaphore(%run_scoped3A : memref<!tpu.dma_semaphore, #tpu.memory_space<semaphore_mem>>) src(%dma_wait3A_244 : memref<512xi32, #tpu.memory_space<hbm>>) dst(%arg6 : memref<512xi32, #tpu.memory_space<vmem>>)
        tpu.yield
      }) : () -> ()
      %scan3A_199 = arith.constant 0 : i32
      %scan3A_200 = arith.constant 0 : i32
      %scan3A_201 = arith.constant 32 : i32
      %scan3A_202 = arith.addi %scan3A_200, %scan3A_201 : i32
      %scan3A_203 = arith.constant 1 : i32
      scf.for %scan3A_241 = %scan3A_200 to %scan3A_202 step %scan3A_203  : i32 {
        %mul3A_242 = arith.constant 16 : i32
        %mul3A_243 = arith.muli %scan3A_241, %mul3A_242 : i32
        %get3A = arith.index_cast %mul3A_243 : i32 to index
        %get3A_244 = tpu.vector_load %arg6[%get3A] {strides = array<i32>} : memref<512xi32, #tpu.memory_space<vmem>>, vector<16xi32>,
        %get3A_245 = vector.shape_cast %get3A_244 : vector<16xi32> to vector<16xi32>
        %rem3A = arith.constant 250000 : i32
        %rem3A_246 = vector.broadcast %rem3A : i32 to vector<16xi32>
        %rem3A_247 = arith.remsi %get3A_245, %rem3A_246 : vector<16xi32>
        %swap3A = arith.index_cast %mul3A_243 : i32 to index
        %swap3A_248 = tpu.vector_load %arg6[%swap3A] {strides = array<i32>} : memref<512xi32, #tpu.memory_space<vmem>>, vector<16xi32>,
        %swap3A_249 = vector.shape_cast %swap3A_248 : vector<16xi32> to vector<16xi32>
        %swap3A_250 = vector.shape_cast %rem3A_247 : vector<16xi32> to vector<16xi32>
        tpu.vector_store %arg6[%swap3A], %swap3A_250 {strides = array<i32>} : memref<512xi32, #tpu.memory_space<vmem>>, vector<16xi32>,
      }
      %scan3A_204 = arith.constant 32 : i32
      %dma_wait3A_205 = arith.constant 0 : i32
      %dma_wait3A_206 = tpu.memref_slice %arg4[%mul3A_2, %dma_wait3A_205] : memref<1638400x64xf32, #tpu.memory_space<hbm>> -> memref<512x64xf32, #tpu.memory_space<hbm>>
      %dma_wait3A_207 = arith.constant 0 : i32
      %dma_wait3A_208 = tpu.memref_slice %arg4[%mul3A_2, %dma_wait3A_207] : memref<1638400x64xf32, #tpu.memory_space<hbm>> -> memref<512x64xf32, #tpu.memory_space<hbm>>
      tpu.wait_dma2 semaphore(%arg12 : memref<!tpu.dma_semaphore, #tpu.memory_space<semaphore_mem>>) src(%dma_wait3A_208 : memref<512x64xf32, #tpu.memory_space<hbm>>) dst(%arg8 : memref<512x64xf32, #tpu.memory_space<vmem>>)
      %dma_start3A_209 = arith.constant 0 : i32
      %dma_start3A_210 = arith.constant 0 : i32
      %dma_start3A_211 = tpu.memref_slice %arg8[%dma_start3A_209, %dma_start3A_210] : memref<512x64xf32, #tpu.memory_space<vmem>> -> memref<128x64xf32, #tpu.memory_space<vmem>>
      %dma_start3A_212 = arith.constant 0 : i32
      %dma_start3A_213 = tpu.memref_slice %arg6[%dma_start3A_212] : memref<512xi32, #tpu.memory_space<vmem>> -> memref<128xi32, #tpu.memory_space<vmem>>
      %dma_start3A_214 = arith.constant 0 : i32
      %dma_start3A_215 = arith.constant 0 : i32
      %dma_start3A_216 = tpu.memref_slice %arg3[%dma_start3A_214, %dma_start3A_215] : memref<250000x64xf32, #tpu.memory_space<hbm>> -> memref<250000x64xf32, #tpu.memory_space<hbm>>
      tpu.enqueue_indirect_dma source(%dma_start3A_216 : memref<250000x64xf32, #tpu.memory_space<hbm>>) target(%dma_start3A_211 : memref<128x64xf32, #tpu.memory_space<vmem>>) offsets(%dma_start3A_213 : memref<128xi32, #tpu.memory_space<vmem>>) semaphore(%arg10 : memref<!tpu.dma_semaphore, #tpu.memory_space<semaphore_mem>>)
      %dma_start3A_217 = arith.constant 128 : i32
      %dma_start3A_218 = arith.constant 0 : i32
      %dma_start3A_219 = tpu.memref_slice %arg8[%dma_start3A_217, %dma_start3A_218] : memref<512x64xf32, #tpu.memory_space<vmem>> -> memref<128x64xf32, #tpu.memory_space<vmem>>
      %dma_start3A_220 = arith.constant 128 : i32
      %dma_start3A_221 = tpu.memref_slice %arg6[%dma_start3A_220] : memref<512xi32, #tpu.memory_space<vmem>> -> memref<128xi32, #tpu.memory_space<vmem>>
      %dma_start3A_222 = arith.constant 0 : i32
      %dma_start3A_223 = arith.constant 0 : i32
      %dma_start3A_224 = tpu.memref_slice %arg3[%dma_start3A_222, %dma_start3A_223] : memref<250000x64xf32, #tpu.memory_space<hbm>> -> memref<250000x64xf32, #tpu.memory_space<hbm>>
      tpu.enqueue_indirect_dma source(%dma_start3A_224 : memref<250000x64xf32, #tpu.memory_space<hbm>>) target(%dma_start3A_219 : memref<128x64xf32, #tpu.memory_space<vmem>>) offsets(%dma_start3A_221 : memref<128xi32, #tpu.memory_space<vmem>>) semaphore(%arg10 : memref<!tpu.dma_semaphore, #tpu.memory_space<semaphore_mem>>)
      %dma_start3A_225 = arith.constant 256 : i32
      %dma_start3A_226 = arith.constant 0 : i32
      %dma_start3A_227 = tpu.memref_slice %arg8[%dma_start3A_225, %dma_start3A_226] : memref<512x64xf32, #tpu.memory_space<vmem>> -> memref<128x64xf32, #tpu.memory_space<vmem>>
      %dma_start3A_228 = arith.constant 256 : i32
      %dma_start3A_229 = tpu.memref_slice %arg6[%dma_start3A_228] : memref<512xi32, #tpu.memory_space<vmem>> -> memref<128xi32, #tpu.memory_space<vmem>>
      %dma_start3A_230 = arith.constant 0 : i32
      %dma_start3A_231 = arith.constant 0 : i32
      %dma_start3A_232 = tpu.memref_slice %arg3[%dma_start3A_230, %dma_start3A_231] : memref<250000x64xf32, #tpu.memory_space<hbm>> -> memref<250000x64xf32, #tpu.memory_space<hbm>>
      tpu.enqueue_indirect_dma source(%dma_start3A_232 : memref<250000x64xf32, #tpu.memory_space<hbm>>) target(%dma_start3A_227 : memref<128x64xf32, #tpu.memory_space<vmem>>) offsets(%dma_start3A_229 : memref<128xi32, #tpu.memory_space<vmem>>) semaphore(%arg10 : memref<!tpu.dma_semaphore, #tpu.memory_space<semaphore_mem>>)
      %dma_start3A_233 = arith.constant 384 : i32
      %dma_start3A_234 = arith.constant 0 : i32
      %dma_start3A_235 = tpu.memref_slice %arg8[%dma_start3A_233, %dma_start3A_234] : memref<512x64xf32, #tpu.memory_space<vmem>> -> memref<128x64xf32, #tpu.memory_space<vmem>>
      %dma_start3A_236 = arith.constant 384 : i32
      %dma_start3A_237 = tpu.memref_slice %arg6[%dma_start3A_236] : memref<512xi32, #tpu.memory_space<vmem>> -> memref<128xi32, #tpu.memory_space<vmem>>
      %dma_start3A_238 = arith.constant 0 : i32
      %dma_start3A_239 = arith.constant 0 : i32
      %dma_start3A_240 = tpu.memref_slice %arg3[%dma_start3A_238, %dma_start3A_239] : memref<250000x64xf32, #tpu.memory_space<hbm>> -> memref<250000x64xf32, #tpu.memory_space<hbm>>
      tpu.enqueue_indirect_dma source(%dma_start3A_240 : memref<250000x64xf32, #tpu.memory_space<hbm>>) target(%dma_start3A_235 : memref<128x64xf32, #tpu.memory_space<vmem>>) offsets(%dma_start3A_237 : memref<128xi32, #tpu.memory_space<vmem>>) semaphore(%arg10 : memref<!tpu.dma_semaphore, #tpu.memory_space<semaphore_mem>>)
    }
    %scan3A_86 = arith.constant 49 : i32
    %dma_wait3A = arith.constant 0 : i32
    %dma_wait3A_87 = tpu.memref_slice %arg4[%mul3A_2, %dma_wait3A] : memref<1638400x64xf32, #tpu.memory_space<hbm>> -> memref<512x64xf32, #tpu.memory_space<hbm>>
    %dma_wait3A_88 = arith.constant 0 : i32
    %dma_wait3A_89 = tpu.memref_slice %arg4[%mul3A_2, %dma_wait3A_88] : memref<1638400x64xf32, #tpu.memory_space<hbm>> -> memref<512x64xf32, #tpu.memory_space<hbm>>
    tpu.wait_dma2 semaphore(%arg9 : memref<!tpu.dma_semaphore, #tpu.memory_space<semaphore_mem>>) src(%dma_wait3A_89 : memref<512x64xf32, #tpu.memory_space<hbm>>) dst(%arg7 : memref<512x64xf32, #tpu.memory_space<vmem>>)
    %add3A_90 = arith.constant 50176 : i32
    %add3A_91 = arith.addi %mul3A_2, %add3A_90 : i32
    %dma_start3A_92 = arith.constant 0 : i32
    %dma_start3A_93 = tpu.memref_slice %arg4[%add3A_91, %dma_start3A_92] : memref<1638400x64xf32, #tpu.memory_space<hbm>> -> memref<512x64xf32, #tpu.memory_space<hbm>>
    %dma_start3A_94 = arith.constant 0 : i32
    %dma_start3A_95 = tpu.memref_slice %arg4[%add3A_91, %dma_start3A_94] : memref<1638400x64xf32, #tpu.memory_space<hbm>> -> memref<512x64xf32, #tpu.memory_space<hbm>>
    tpu.enqueue_dma source(%arg7 : memref<512x64xf32, #tpu.memory_space<vmem>>) target(%dma_start3A_95 : memref<512x64xf32, #tpu.memory_space<hbm>>) target_semaphore(%arg11 : memref<!tpu.dma_semaphore, #tpu.memory_space<semaphore_mem>>)
    %dma_wait3A_96 = arith.constant 0 : i32
    %dma_wait3A_97 = tpu.memref_slice %arg4[%mul3A_2, %dma_wait3A_96] : memref<1638400x64xf32, #tpu.memory_space<hbm>> -> memref<512x64xf32, #tpu.memory_space<hbm>>
    %dma_wait3A_98 = arith.constant 0 : i32
    %dma_wait3A_99 = tpu.memref_slice %arg4[%mul3A_2, %dma_wait3A_98] : memref<1638400x64xf32, #tpu.memory_space<hbm>> -> memref<512x64xf32, #tpu.memory_space<hbm>>
    tpu.wait_dma2 semaphore(%arg10 : memref<!tpu.dma_semaphore, #tpu.memory_space<semaphore_mem>>) src(%dma_wait3A_99 : memref<512x64xf32, #tpu.memory_space<hbm>>) dst(%arg8 : memref<512x64xf32, #tpu.memory_space<vmem>>)
    %add3A_100 = arith.constant 50688 : i32
    %add3A_101 = arith.addi %mul3A_2, %add3A_100 : i32
    %dma_start3A_102 = arith.constant 0 : i32
    %dma_start3A_103 = tpu.memref_slice %arg4[%add3A_101, %dma_start3A_102] : memref<1638400x64xf32, #tpu.memory_space<hbm>> -> memref<512x64xf32, #tpu.memory_space<hbm>>
    %dma_start3A_104 = arith.constant 0 : i32
    %dma_start3A_105 = tpu.memref_slice %arg4[%add3A_101, %dma_start3A_104] : memref<1638400x64xf32, #tpu.memory_space<hbm>> -> memref<512x64xf32, #tpu.memory_space<hbm>>
    tpu.enqueue_dma source(%arg8 : memref<512x64xf32, #tpu.memory_space<vmem>>) target(%dma_start3A_105 : memref<512x64xf32, #tpu.memory_space<hbm>>) target_semaphore(%arg12 : memref<!tpu.dma_semaphore, #tpu.memory_space<semaphore_mem>>)
    %dma_wait3A_106 = arith.constant 0 : i32
    %dma_wait3A_107 = tpu.memref_slice %arg4[%mul3A_2, %dma_wait3A_106] : memref<1638400x64xf32, #tpu.memory_space<hbm>> -> memref<512x64xf32, #tpu.memory_space<hbm>>
    %dma_wait3A_108 = arith.constant 0 : i32
    %dma_wait3A_109 = tpu.memref_slice %arg4[%mul3A_2, %dma_wait3A_108] : memref<1638400x64xf32, #tpu.memory_space<hbm>> -> memref<512x64xf32, #tpu.memory_space<hbm>>
    tpu.wait_dma2 semaphore(%arg11 : memref<!tpu.dma_semaphore, #tpu.memory_space<semaphore_mem>>) src(%dma_wait3A_109 : memref<512x64xf32, #tpu.memory_space<hbm>>) dst(%arg7 : memref<512x64xf32, #tpu.memory_space<vmem>>)
    %dma_wait3A_110 = arith.constant 0 : i32
    %dma_wait3A_111 = tpu.memref_slice %arg4[%mul3A_2, %dma_wait3A_110] : memref<1638400x64xf32, #tpu.memory_space<hbm>> -> memref<512x64xf32, #tpu.memory_space<hbm>>
    %dma_wait3A_112 = arith.constant 0 : i32
    %dma_wait3A_113 = tpu.memref_slice %arg4[%mul3A_2, %dma_wait3A_112] : memref<1638400x64xf32, #tpu.memory_space<hbm>> -> memref<512x64xf32, #tpu.memory_space<hbm>>
    tpu.wait_dma2 semaphore(%arg12 : memref<!tpu.dma_semaphore, #tpu.memory_space<semaphore_mem>>) src(%dma_wait3A_113 : memref<512x64xf32, #tpu.memory_space<hbm>>) dst(%arg8 : memref<512x64xf32, #tpu.memory_space<vmem>>)
    return
  }
}

</mosaic_0001>

<sc_bundles>
// kernel: kernel.3.cloned.1.call-start
scs
__scs_entry_jumppad:
0x0: {  	(pc) =	sbr.rel $0x88, $3  }
0x1: {  	(tag) =	ssettag $0x0;
	lr =	simm.s32 $0x1  }
0x2: {  	[smem:$0x3F9F] =	sst lr;
	_ =	strace $0xD0000000  }
0x3: {  	_ = 	snop  }
0x4: {  	_ = 	snop  }
0x5: {  	_ = 	snop  }
0x6: {  	_ = 	snop  }
0x7: {  	_ = 	snop  }
__scs_overlays_trampoline_lowered:
0x8: {  	[smem:$0x3FAE] =	sst s0  }
0x9: {  	[smem:$0x3FAF] =	sst s1  }
0xa: {  	[smem:$0x3FB0] =	sst s2  }
0xb: {  	[smem:$0x3FB1] =	sst s3  }
0xc: {  	[smem:$0x3FB2] =	sst s4  }
0xd: {  	[smem:$0x3FB3] =	sst s5  }
0xe: {  	[smem:$0x3FB4] =	sst s6  }
0xf: {  	[smem:$0x3FB5] =	sst s7  }
0x10: {  	[smem:$0x3FB6] =	sst s8  }
0x11: {  	[smem:$0x3FB7] =	sst s9;
	s0 =	simm.s32 @!p0 $0x0  }
0x12: {  	s1 =	sld [smem:$0x3F9D];
	s0 =	simm.s32 @p0 $0x1  }
0x13: {  	[smem:$0x3FB8] =	sst s0;
	s0 =	simm.s32 @!p1 $0x0  }
0x14: {  	s2 =	sld [smem:$0x3F9C];
	s0 =	simm.s32 @p1 $0x1  }
0x15: {  	[smem:$0x3FB9] =	sst s0;
	s0 =	simm.s32 @!p2 $0x0  }
0x16: {  	s3 =	sld [smem:$0x3FDB];
	s0 =	simm.s32 @p2 $0x1  }
0x17: {  	s4 =	simm.s32 $0x1BF5;
	[smem:$0x3FBB] =	sst s0  }
0x18: {  	s0 =	sld [smem:$0x3F9E];
	_ =	swait.ge [sflag:s4], $0x0  }
0x19: {  	s7 =	sld [smem:$0x3F9F]  }
0x1a: {  	s8 =	sadd.s32 $0xFFFFE003, lr  }
0x1b: {  	s9 =	sadd.s32 $0xFFFFFEF7, lr;
	s5 =	simm.s32 $0xFFFFFFFF;
	p2 =	slt.u32 s8, $0xFFFFF086  }
0x1c: {  	p1 =	slt.u32 s9, $0xF7A;
	s5 =	simm.s32 @!p2 $0x0  }
0x1d: {  	s5 =	simm.s32 @p1 $0x1;
	p0 =	seq.s32 s7, s2  }
0x1e: {  	s7 =	smul.u32 @!p0 $0xF7A, s2;
	p2 =	seq.s32 @!p0 s5, $0x0  }
0x1f: {  	s9 =	smul.u32 $0xF7A, s1;
	s8 =	simm.s32 @!p0 $0x1BF5;
	p2 =	por !p2, p0  }
0x20: {  	[sflag:s8] =	ssyncset.s32 @!p0 $0xFFFFF086;
	s6 =	sadd.s32 @!p0 s3, s7;
	s7 =	simm.s32 @!p0 $0x108  }
0x21: {  	s3 =	sadd.s32 s3, s9;
	s6 =	sadd.s32 @!p0 $0x88, s6;
	s7 =	simm.s32 @p2 $0x1082  }
0x22: {  	[simem:s7], [sflag:s8] =	dma.local @!p0 [hbm:s6], $0xF7A  }
0x23: {  	s9 =	sor.u32 $0xD0000000, s2;
	s6 =	simm.s32 $0x108;
	_ =	swait.ge @!p0 [sflag:s8], $0x0  }
0x24: {  	s3 =	sadd.s32 $0x88, s3;
	s6 =	simm.s32 @!p1 $0x1082;
	[sflag:s4] =	ssyncset.s32 $0xFFFFF086  }
0x25: {  	[simem:s6], [sflag:s4] =	dma.local [hbm:s3], $0xF7A  }
0x26: {  	[smem:$0x3F9F] =	sst s1;
	(tag) =	ssettag s2;
	_ =	strace s9  }
0x27: {  	s1 =	sld [smem:$0x3FAF]  }
0x28: {  	s2 =	sld [smem:$0x3FB0]  }
0x29: {  	s4 =	sld [smem:$0x3FB2]  }
0x2a: {  	p0 =	seq.s32 s5, $0x0;
	s5 =	sld [smem:$0x3FB3]  }
0x2b: {  	s6 =	sld [smem:$0x3FB4]  }
0x2c: {  	s7 =	sld [smem:$0x3FB5]  }
0x2d: {  	s3 =	simm.s32 $0x108;
	s8 =	sld [smem:$0x3FB6]  }
0x2e: {  	s3 =	simm.s32 @!p0 $0x1082;
	s9 =	sld [smem:$0x3FB7]  }
0x2f: {  	lr =	sadd.s32 s0, s3;
	s0 =	sld [smem:$0x3FAE]  }
0x30: {  	s3 =	sld [smem:$0x3FB1]  }
0x31: {  	[smem:$0x3FBA] =	sst s10  }
0x32: {  	s10 =	sld [smem:$0x3FB8];
	_ =	sdelay $0x3  }
0x33: {  	p0 =	seq.s32 s10, $0x1;
	s10 =	sld [smem:$0x3FBA];
	_ =	sdelay $0x3  }
0x34: {  	[smem:$0x3FBA] =	sst s10  }
0x35: {  	s10 =	sld [smem:$0x3FB9];
	_ =	sdelay $0x3  }
0x36: {  	p1 =	seq.s32 s10, $0x1;
	s10 =	sld [smem:$0x3FBA];
	_ =	sdelay $0x3  }
0x37: {  	[smem:$0x3FBA] =	sst s10  }
0x38: {  	s10 =	sld [smem:$0x3FBB]  }
0x39: {  	_ = 	snop;
	(pc) =	sbr.ind lr, $3  }
0x3a: {  	_ = 	snop  }
0x3b: {  	_ = 	snop  }
0x3c: {  	p2 =	seq.s32 s10, $0x1;
	s10 =	sld [smem:$0x3FBA]  }
0x3d: {  	_ =	shalt  }
0x3e: {  	_ =	shalt  }
0x3f: {  	_ =	shalt  }
0x40: {  	_ =	shalt  }
0x41: {  	_ =	shalt  }
0x42: {  	_ =	shalt  }
0x43: {  	_ =	shalt  }
0x44: {  	_ =	shalt  }
0x45: {  	_ =	shalt  }
0x46: {  	_ =	shalt  }
0x47: {  	_ =	shalt  }
0x48: {  	_ =	shalt  }
0x49: {  	_ =	shalt  }
0x4a: {  	_ =	shalt  }
0x4b: {  	_ =	shalt  }
0x4c: {  	_ =	shalt  }
0x4d: {  	_ =	shalt  }
0x4e: {  	_ =	shalt  }
0x4f: {  	_ =	shalt  }
0x50: {  	_ =	shalt  }
0x51: {  	_ =	shalt  }
0x52: {  	_ =	shalt  }
0x53: {  	_ =	shalt  }
0x54: {  	_ =	shalt  }
0x55: {  	_ =	shalt  }
0x56: {  	_ =	shalt  }
0x57: {  	_ =	shalt  }
0x58: {  	_ =	shalt  }
0x59: {  	_ =	shalt  }
0x5a: {  	_ =	shalt  }
0x5b: {  	_ =	shalt  }
0x5c: {  	_ =	shalt  }
0x5d: {  	_ =	shalt  }
0x5e: {  	_ =	shalt  }
0x5f: {  	_ =	shalt  }
0x60: {  	_ =	shalt  }
0x61: {  	_ =	shalt  }
0x62: {  	_ =	shalt  }
0x63: {  	_ =	shalt  }
0x64: {  	_ =	shalt  }
0x65: {  	_ =	shalt  }
0x66: {  	_ =	shalt  }
0x67: {  	_ =	shalt  }
0x68: {  	_ =	shalt  }
0x69: {  	_ =	shalt  }
0x6a: {  	_ =	shalt  }
0x6b: {  	_ =	shalt  }
0x6c: {  	_ =	shalt  }
0x6d: {  	_ =	shalt  }
0x6e: {  	_ =	shalt  }
0x6f: {  	_ =	shalt  }
0x70: {  	_ =	shalt  }
0x71: {  	_ =	shalt  }
0x72: {  	_ =	shalt  }
0x73: {  	_ =	shalt  }
0x74: {  	_ =	shalt  }
0x75: {  	_ =	shalt  }
0x76: {  	_ =	shalt  }
0x77: {  	_ =	shalt  }
0x78: {  	_ =	shalt  }
0x79: {  	_ =	shalt  }
0x7a: {  	_ =	shalt  }
0x7b: {  	_ =	shalt  }
0x7c: {  	_ =	shalt  }
0x7d: {  	_ =	shalt  }
0x7e: {  	_ =	shalt  }
0x7f: {  	_ =	shalt  }
0x80: {  	_ =	shalt  }
0x81: {  	_ =	shalt  }
0x82: {  	_ =	shalt  }
0x83: {  	_ =	shalt  }
0x84: {  	_ =	shalt  }
0x85: {  	_ =	shalt  }
0x86: {  	_ =	shalt  }
0x87: {  	_ =	shalt  }
.Lfunc_end0:
.L_simem_size_0:
called_computation.1_lowered:
.L_overlay_start_0:
0x88: {  	s2 =	sld [smem:$0x3FD9]  }
0x89: {  	s3 =	sld [smem:$0x3FFE];
	_ =	sdelay $0x1  }
0x8a: {  	s1 =	srdreg.scid  }
0x8b: {  	s0 =	sand.u32 $0x1, s1  }
0x8c: {  	s17 =	sshll.u32 s0, $0xA;
	s2 =	sadd.s32 s3, s2  }
0x8d: {  	s2 =	sadd.s32 s2, s17  }
0x8e: {  	[smem:$0x3FC6] =	sst s2  }
0x8f: {  	_ = 	snop  }
0x90: {  	s2 =	sld [smem:$0x3FD0];
	(tm) =	ssettm $0x1  }
0x91: {  	s18 =	sld [smem:$0x3FFB];
	_ =	sdelay $0x3  }
0x92: {  	_ =	strace s18  }
0x93: {  	s3 =	sld [smem:$0x3FFC];
	_ =	sdelay $0x3  }
0x94: {  	_ =	strace s3  }
0x95: {  	s3 =	sld [smem:$0x3FFD];
	_ =	sdelay $0x3  }
0x96: {  	_ =	strace s3  }
0x97: {  	_ =	strace $0x8FFFFFFF  }
0x98: {  	s19 =	sld [smem:$0x3FDB];
	_ =	sdelay $0x1  }
0x99: {  	s4 =	simm.s32 $_scs_section_size  }
0x9a: {  	s5 =	simm.s32 $_size__tile_overlayer_lowered;
	s6 =	simm.s32 $_tile_overlayer_lowered  }
0x9b: {  	s22 =	simm.s32 $0x1BFF;
	s21 =	sshll.u32 s6, $0x1;
	s3 =	sadd.s32 s4, s19  }
0x9c: {  	s7 =	simm.s32 $0x0;
	s20 =	sshll.u32 s5, $0x1;
	s5 =	sadd.s32 s21, s3  }
0x9d: {  	[timem:s7], [sflag:s22] =	dma.local [hbm:s5], s20  }
0x9e: {  	_ =	swait.ge [sflag:s22], s20  }
0x9f: {  	s4 =	ssub.s32 $0x0, s20;
	[sflag:s22] =	ssyncset.done $0x0  }
0xa0: {  	[sflag:s22] =	ssyncadd.s32 s4;
	_ =	sdelay $0x1  }
0xa1: {  	s23 =	simm.s32 $0x1B8B  }
0xa2: {  	_ =	swait.ge [sflag:s23], $0x1  }
0xa3: {  	[sflag:s23] =	ssyncset.done $0x0  }
0xa4: {  	s25 =	simm.s32 $0x1B8E;
	s24 =	sld [smem:$0x3FFE];
	[sflag:s23] =	ssyncadd.s32 $0xFFFFFFFF  }
0xa5: {  	s26 =	simm.s32 $execute0_lowered;
	[smem:$0x3FD2] =	sst s25  }
0xa6: {  	s5 =	sshll.u32 s26, $0x1;
	_ =	strace $0x80000046;
	[dreg:$0x1] =	wrdreg $0xFFFFFFFF  }
0xa7: {  	s28 =	simm.s32 $_size_execute0_lowered;
	s3 =	sadd.s32 s3, s5;
	[dreg:$0x0] =	wrdreg $0x0  }
0xa8: {  	s5 =	sshll.u32 s28, $0x1;
	[dreg:$0x2] =	wrdreg s3  }
0xa9: {  	[dreg:$0x3] =	wrdreg s5  }
0xaa: {  	[dreg:$0x4] =	wrdreg $0xC0  }
0xab: {  	_ =	task [dreg:s7], $0x5FFFF  }
0xac: {  	[dreg:$0x1] =	wrdreg $0xFFFFFFFF  }
0xad: {  	[dreg:$0x0] =	wrdreg $0x60  }
0xae: {  	[dreg:$0x2] =	wrdreg s24  }
0xaf: {  	[dreg:$0x3] =	wrdreg s2  }
0xb0: {  	[dreg:$0x4] =	wrdreg $0x9  }
0xb1: {  	_ =	task.clear_ibuf [dreg:s7], $0x5FFFF;
	_ =	strace $0x90000046  }
0xb2: {  	s29 =	simm.s32 $0x9;
	_ =	strace $0x80000048  }
0xb3: {  	_ =	swait.ge [sflag:s29], $0x1  }
0xb4: {  	[sflag:s29] =	ssyncadd.s32 $0xFFFFFFFF  }
0xb5: {  	_ =	strace $0x90000048  }
0xb6: {  	_ =	sfence  }
0xb7: {  	s30 =	sld [smem:$0x0];
	_ =	sdelay $0x2  }
0xb8: {  	s31 =	sshll.u32 s1, $0xD;
	s1 =	sshrl.u32 s1, $0x2  }
0xb9: {  	s3 =	sand.u32 $0x4000, s31;
	s1 =	sadd.s32 s1, s30  }
0xba: {  	s0 =	sor.u32 s3, s0;
	s1 =	sshll.u32 s1, $0x11  }
0xbb: {  	s0 =	sor.u32 s1, s0  }
0xbc: {  	s0 =	sadd.s32 $0x8F2B, s0  }
0xbd: {  	[sflag:s0] =	ssyncadd.remote.s32 $0x1  }
0xbe: {  	_ =	sfence.sel $0xFFFF  }
0xbf: {  	[dreg:$0x0] =	wrdreg $0xFFFFFFFF;
	(pc) =	sbr.abs _section_cstart, $3  }
0xc0: {  	[dreg:$0x1] =	wrdreg $0xFFFFFFFF  }
0xc1: {  	_ =	task.clear_ibuf [dreg:s7], $0x2FFFF;
	_ =	strace $0x9FFFFFFF  }
0xc2: {  	(tm) =	ssettm $0x7FFFFFFF  }
0xc3: {  	_ =	shalt  }
tec
execute0_lowered:
.L_overlay_start_1:
0x0: {  	(tag) =	ssettag $0x1  }
0x1: {  	s0 =	rddreg [dreg:$0x0];
	s1 =	srdreg.scid  }
0x2: {  	s2 =	stileid.u32;
	s6 =	rddreg [dreg:$0x1]  }
0x3: {  	s7 =	simm.s32 $0x0;
	s1 =	sand.u32 $0x1, s1;
	s2 =	sshll.u32 s2, $0x1  }
0x4: {  	[smem:$0x7FF] =	sst s7;
	s2 =	sor.u32 s1, s2  }
0x5: {  	s8 =	sadd.s32 $0x800, s0;
	s0 =	sadd.s32 $0x32800, s0;
	s3 =	smul.u32 $0xC800, s2  }
0x6: {  	_ =	strace $0x80000047;
	[dreg:$0xd] =	wrdreg s0;
	s2 =	smul.u32 $0x320000, s2  }
0x7: {  	s1 =	ssub.s32 $0x2, s1;
	[dreg:$0xb] =	wrdreg s8  }
0x8: {  	s4 =	sshrl.u32 s1, $0x1;
	s26 =	sor.u32 $0x400, s3;
	[dreg:$0xc] =	wrdreg s2  }
0x9: {  	s24 =	ssub.s32 s1, s4;
	s29 =	sor.u32 $0x200, s3;
	[dreg:$0x10] =	wrdreg s26  }
0xa: {  	v0 =	vimm.s32 $0xECA86420;
	vm0 =	vcmask $0xB08;
	vm1 =	vcmask $0x1310;
	s5 =	sshrl.u32 s3, $0x3;
	s30 =	sor.u32 $0x600, s3;
	[dreg:$0x11] =	wrdreg s29  }
0xb: {  	vm2 =	vcmask $0x1B18;
	vm3 =	vcmask $0x300;
	vm4 =	vcmask $0x2320;
	s0 =	smax.u32 s24, $0x1;
	s25 =	sadd.s32 s8, s5;
	[dreg:$0x12] =	wrdreg s30  }
0xc: {  	vm5 =	vcmask $0x2B28;
	vm6 =	vcmask $0x3330;
	vm7 =	vcmask $0x3B38;
	s28 =	sshrl.u32 s2, $0x3;
	[dreg:$0x15] =	wrdreg s0;
	s1 =	sadd.s32 $0x40, s25  }
0xd: {  	v1 =	vlaneseq.u32;
	vm8 =	vmmov $0xff;
	vm9 =	vcmask $0x704;
	[dreg:$0xf] =	wrdreg s1;
	s1 =	sadd.s32 s6, s28  }
0xe: {  	vm10 =	vcmask $0xF0C;
	vm11 =	vcmask $0x1714;
	v0 =	vunpack.c.l.s4.s8 v0;
	[dreg:$0xe] =	wrdreg s25;
	s31 =	sadd.s32 $0x62000, s1  }
0xf: {  	vm12 =	vcmask $0x1F1C;
	vm13 =	vcmask $0x2724;
	vm14 =	vcmask $0x2F2C;
	s1 =	sadd.s32 $0x63000, s1;
	[dreg:$0x13] =	wrdreg s31  }
0x10: {  	vm15 =	vcmask $0x3734;
	v1 =	vmul.u32 $0x2, v1;
	v0 =	vunpack.c.0.s8.s32 v0;
	s2 =	simm.s32 $0x0;
	[dreg:$0x14] =	wrdreg s1  }
.LBB2_1:
0x11: {  	[dreg:$0x16] =	wrdreg s2  }
0x12: {  	s0 =	rddreg [dreg:$0xe];
	s20 =	simm.s32 $0x5  }
0x13: {  	[tilespmem:s7], [sflag:$0x5] =	stream.linear.gather [hbm4b:s0+s7], $0x200, $0x38;
	[tilespmem:$0x10400] =	vst v63  }
0x14: {  	_ =	swait.ge [sflag:s20], $0x200  }
0x15: {  	[sflag:s20] =	ssyncset.done $0x0  }
0x16: {  	s1 =	simm.s32 $0x0;
	[sflag:s20] =	ssyncadd.s32 $0xFFFFFE00  }
0x17: {  	v2 =	vld [tilespmem:s1+$0x0];
	_ =	sdelay $0x4  }
0x18: {  	(v2sf) =	vpush v2, $0x0  }
0x19: {  	(v2sf) =	vpush v2, $0x1  }
0x1a: {  	(v2sf) =	vpush v2, $0x2;
	_ =	sdelay $0x1  }
0x1b: {  	(v2sf) =	vpush v2, $0x7;
	_ =	sdelay $0x1  }
0x1c: {  	(v2sf) =	vpush v2, $0x3  }
0x1d: {  	(v2sf) =	vpush v2, $0x4;
	_ =	sdelay $0x1  }
0x1e: {  	(v2sf) =	vpush v2, $0xC;
	_ =	sdelay $0x1  }
0x1f: {  	(v2sf) =	vpush v2, $0xD;
	_ =	sdelay $0x1  }
0x20: {  	(v2sf) =	vpush v2, $0xE;
	_ =	sdelay $0x1  }
0x21: {  	(v2sf) =	vpush v2, $0x8;
	s22 =	spop (v2sf)  }
0x22: {  	(v2sf) =	vpush v2, $0xF;
	s23 =	smulhi.u32 $0x431BDE83, s22;
	s25 =	spop (v2sf)  }
0x23: {  	s4 =	smulhi.u32 $0x431BDE83, s25;
	s5 =	spop (v2sf)  }
0x24: {  	(v2sf) =	vpush v2, $0x9;
	s2 =	sshra.s32 s25, $0x1F;
	s6 =	smulhi.u32 $0x431BDE83, s5  }
0x25: {  	s21 =	simm.s32 $0x0;
	s26 =	spop (v2sf);
	s2 =	smul.u32 $0x431BDE83, s2  }
0x26: {  	[dreg:$0x3] =	wrdreg s21;
	s5 =	sshra.s32 s5, $0x1F;
	s8 =	smulhi.u32 $0x431BDE83, s26  }
0x27: {  	s7 =	sshra.s32 s26, $0x1F;
	s9 =	spop (v2sf);
	s5 =	smul.u32 $0x431BDE83, s5  }
0x28: {  	(v2sf) =	vpush v2, $0xA;
	s13 =	sshra.s32 s22, $0x1F;
	s10 =	spop (v2sf);
	s24 =	smul.u32 $0x431BDE83, s7  }
0x29: {  	(v2sf) =	vpush v2, $0x5;
	s15 =	smulhi.u32 $0x431BDE83, s9;
	s9 =	sshra.s32 s9, $0x1F;
	s30 =	sadd.s32 s2, s4  }
0x2a: {  	s11 =	sshra.s32 s10, $0x1F;
	s12 =	spop (v2sf);
	s9 =	smul.u32 $0x431BDE83, s9  }
0x2b: {  	s5 =	sadd.s32 s5, s6;
	s29 =	sshra.s32 s30, $0x10;
	s31 =	smul.u32 $0x431BDE83, s11  }
0x2c: {  	s1 =	spop (v2sf);
	s3 =	sshra.s32 s12, $0x1F;
	s14 =	smulhi.u32 $0x431BDE83, s12  }
0x2d: {  	s20 =	sshra.s32 s5, $0x10;
	s18 =	sshrl.u32 s5, $0x1F;
	s16 =	smulhi.u32 $0x431BDE83, s1  }
0x2e: {  	(v2sf) =	vpush v2, $0xB;
	s19 =	sshra.s32 s5, $0x1F;
	s4 =	spop (v2sf);
	s7 =	smul.u32 $0x431BDE83, s3  }
0x2f: {  	(v2sf) =	vpush v2, $0x6;
	s0 =	sshra.s32 s1, $0x1F;
	s12 =	sadd.s32 s9, s15;
	[dreg:$0x5] =	wrdreg s31  }
0x30: {  	s22 =	smulhi.u32 $0x431BDE83, s4;
	s5 =	spop (v2sf);
	s3 =	sshra.s32 s4, $0x1F  }
0x31: {  	s0 =	smul.u32 $0x431BDE83, s0;
	s28 =	sshrl.u32 s12, $0x1F;
	s21 =	spop (v2sf)  }
0x32: {  	s9 =	sshra.s32 s12, $0x10;
	s25 =	sshra.s32 s21, $0x1F;
	s11 =	smulhi.u32 $0x431BDE83, s21  }
0x33: {  	s16 =	sadd.s32 s0, s16;
	s0 =	smul.u32 $0x431BDE83, s25;
	s17 =	spop (v2sf)  }
0x34: {  	s2 =	sshra.s32 s12, $0x1F;
	s12 =	sshra.s32 s30, $0x1F;
	s6 =	smulhi.u32 $0x431BDE83, s17  }
0x35: {  	s1 =	sadd.s32 s7, s14;
	s7 =	sshra.s32 s17, $0x1F;
	s17 =	smulhi.u32 $0x431BDE83, s10  }
0x36: {  	s14 =	sshrl.u32 s1, $0x1F;
	s31 =	sshra.s32 s16, $0x10;
	s4 =	smul.u32 $0x431BDE83, s7  }
0x37: {  	s21 =	spop (v2sf);
	s7 =	sshra.s32 s1, $0x10;
	s1 =	smul.u32 $0x431BDE83, s13  }
0x38: {  	s26 =	spop (v2sf);
	s25 =	sshra.s32 s21, $0x1F;
	s21 =	smulhi.u32 $0x431BDE83, s21  }
0x39: {  	s13 =	sadd.s32 s24, s8;
	s24 =	sshra.s32 s5, $0x1F;
	s8 =	smulhi.u32 $0x431BDE83, s5  }
0x3a: {  	s25 =	smul.u32 $0x431BDE83, s25;
	v3 =	vmov s7;
	s7 =	simm.s32 $0x40;
	s15 =	sadd.s32 s1, s23  }
0x3b: {  	s1 =	sshrl.u32 s16, $0x1F;
	s10 =	sadd.s32 s4, s6;
	s23 =	smulhi.u32 $0x431BDE83, s26  }
0x3c: {  	s4 =	sshra.s32 s26, $0x1F;
	s26 =	sshrl.u32 s30, $0x1F;
	s6 =	sshra.s32 s13, $0x1F  }
0x3d: {  	v4 =	vmov s14;
	s30 =	smul.u32 $0x431BDE83, s3;
	s16 =	spop (v2sf);
	v5 =	vmov s6;
	s14 =	sshra.s32 s15, $0x10  }
0x3e: {  	v3 =	vsel vm0, s31, v3;
	v4 =	vsel vm0, s1, v4;
	s5 =	smulhi.u32 $0x431BDE83, s16;
	s1 =	spop (v2sf);
	s6 =	sshra.s32 s15, $0x1F;
	v5 =	vsel vm3, s14, v5  }
.LBB2_2:
0x3f: {  	s31 =	sshrl.u32 s10, $0x1F;
	s24 =	smul.u32 $0x431BDE83, s24  }
0x40: {  	s16 =	sshra.s32 s16, $0x1F;
	v5 =	vsel vm9, s6, v5;
	s0 =	sadd.s32 s0, s11;
	s15 =	sshrl.u32 s15, $0x1F  }
0x41: {  	s4 =	smul.u32 $0x431BDE83, s4;
	s3 =	rddreg [dreg:$0x5];
	v5 =	vsel vm0, s29, v5;
	s11 =	sadd.s32 s30, s22  }
0x42: {  	v6 =	vmov s15;
	s6 =	sadd.s32 s3, s17;
	s22 =	sshra.s32 s1, $0x1F;
	s3 =	smulhi.u32 $0x431BDE83, s1;
	v5 =	vsel vm10, s12, v5  }
0x43: {  	s8 =	sadd.s32 s24, s8;
	v6 =	vnsel vm3, $0x0, v6;
	s24 =	sshrl.u32 s11, $0x1F;
	s11 =	sshra.s32 s11, $0x10;
	v5 =	vsel vm1, s20, v5  }
0x44: {  	s25 =	sadd.s32 s25, s21;
	s12 =	sshrl.u32 s0, $0x1F;
	s14 =	sshrl.u32 s6, $0x1F;
	v6 =	vsel vm0, s26, v6;
	v4 =	vsel vm1, s24, v4;
	v3 =	vsel vm1, s11, v3  }
0x45: {  	s15 =	smul.u32 $0x431BDE83, s22;
	s22 =	sshrl.u32 s8, $0x1F;
	s8 =	sshra.s32 s8, $0x10;
	v5 =	vsel vm11, s19, v5;
	v6 =	vsel vm1, s18, v6;
	v4 =	vsel vm2, s12, v4  }
0x46: {  	s4 =	sadd.s32 s4, s23;
	s17 =	sshra.s32 s6, $0x10;
	s0 =	sshra.s32 s0, $0x10;
	v7 =	vmov s22;
	v8 =	vmov s8;
	v5 =	vsel vm2, s9, v5  }
0x47: {  	s23 =	sshra.s32 s10, $0x10;
	s20 =	sshra.s32 s6, $0x1F;
	s18 =	smul.u32 $0x431BDE83, s16;
	v3 =	vsel vm2, s0, v3;
	v6 =	vsel vm2, s28, v6;
	v5 =	vsel vm12, s2, v5  }
0x48: {  	s24 =	sshra.s32 s4, $0x10;
	s6 =	sshra.s32 s25, $0x10;
	v7 =	vsel vm0, s31, v7;
	s31 =	sshrl.u32 s25, $0x1F;
	v8 =	vsel vm0, s23, v8;
	v5 =	vsel vm4, s17, v5  }
0x49: {  	s19 =	sshrl.u32 s4, $0x1F;
	s1 =	sadd.s32 s15, s3;
	v6 =	vsel vm4, s14, v6;
	s26 =	sadd.s32 s18, s5;
	v7 =	vsel vm1, s31, v7;
	v5 =	vsel vm13, s20, v5  }
0x4a: {  	s4 =	sshra.s32 s4, $0x1F;
	s8 =	sshrl.u32 s1, $0x1F;
	v8 =	vsel vm1, s6, v8;
	v6 =	vsel vm5, s19, v6;
	s2 =	sshrl.u32 s26, $0x1F;
	v5 =	vsel vm5, s24, v5  }
0x4b: {  	s9 =	sshra.s32 s1, $0x10;
	s3 =	sshra.s32 s26, $0x10;
	v6 =	vsel vm6, s8, v6;
	v7 =	vsel vm2, s2, v7;
	v5 =	vsel vm14, s4, v5  }
0x4c: {  	s10 =	sshrl.u32 s13, $0x1F;
	s1 =	sshra.s32 s1, $0x1F;
	v8 =	vsel vm2, s3, v8;
	v4 =	vcombine.low v7, v4;
	v5 =	vsel vm6, s9, v5  }
0x4d: {  	s11 =	sshra.s32 s13, $0x10;
	v3 =	vcombine.low v8, v3;
	v6 =	vsel vm7, s10, v6;
	v5 =	vsel vm15, s1, v5  }
0x4e: {  	v6 =	vperm.xlane v6, v1;
	v4 =	vperm.xlane v4, v0;
	v5 =	vsel vm7, s11, v5  }
0x4f: {  	v3 =	vperm.xlane v3, v0;
	v5 =	vperm.xlane v5, v1;
	_ =	sdelay $0x1  }
0x50: {  	v4 =	vsel vm8, v6, v4;
	v3 =	vsel vm8, v5, v3  }
0x51: {  	v3 =	vadd.s32 v4, v3  }
0x52: {  	v3 =	vmul.u32 $0x3D090, v3;
	_ =	sdelay $0x1  }
0x53: {  	s13 =	rddreg [dreg:$0x3];
	s12 =	smov.u32 s7;
	v2 =	vsub.s32 v2, v3  }
0x54: {  	s14 =	sshra.s32 s12, $0x2;
	[tilespmem:s13+$0x0] =	vst v2  }
0x55: {  	v2 =	vld [tilespmem:s14+$0x0];
	_ =	sdelay $0x4  }
0x56: {  	(v2sf) =	vpush v2, $0x0  }
0x57: {  	(v2sf) =	vpush v2, $0x1  }
0x58: {  	(v2sf) =	vpush v2, $0x2;
	_ =	sdelay $0x1  }
0x59: {  	(v2sf) =	vpush v2, $0x7;
	_ =	sdelay $0x1  }
0x5a: {  	(v2sf) =	vpush v2, $0x3;
	_ =	sdelay $0x1  }
0x5b: {  	(v2sf) =	vpush v2, $0x4  }
0x5c: {  	(v2sf) =	vpush v2, $0xC;
	_ =	sdelay $0x1  }
0x5d: {  	(v2sf) =	vpush v2, $0xD;
	_ =	sdelay $0x1  }
0x5e: {  	(v2sf) =	vpush v2, $0xE;
	_ =	sdelay $0x1  }
0x5f: {  	s15 =	spop (v2sf)  }
0x60: {  	(v2sf) =	vpush v2, $0x8;
	s5 =	smulhi.u32 $0x431BDE83, s15;
	s16 =	spop (v2sf)  }
0x61: {  	(v2sf) =	vpush v2, $0xF;
	s17 =	smulhi.u32 $0x431BDE83, s16;
	s18 =	spop (v2sf)  }
0x62: {  	p0 =	sne.s32 s7, $0x7C0;
	s0 =	sshra.s32 s16, $0x1F;
	s19 =	smulhi.u32 $0x431BDE83, s18  }
0x63: {  	s7 =	sadd.s32 $0x40, s7;
	(v2sf) =	vpush v2, $0x9;
	s21 =	spop (v2sf);
	s0 =	smul.u32 $0x431BDE83, s0  }
0x64: {  	[dreg:$0x3] =	wrdreg s14;
	s20 =	sshra.s32 s18, $0x1F;
	s1 =	smulhi.u32 $0x431BDE83, s21  }
0x65: {  	s8 =	sshra.s32 s21, $0x1F;
	s22 =	spop (v2sf);
	s6 =	smul.u32 $0x431BDE83, s20  }
0x66: {  	s25 =	sshra.s32 s15, $0x1F;
	s23 =	sshra.s32 s22, $0x1F;
	s8 =	smul.u32 $0x431BDE83, s8  }
0x67: {  	(v2sf) =	vpush v2, $0xA;
	s12 =	spop (v2sf);
	s30 =	sadd.s32 s0, s17;
	s4 =	smulhi.u32 $0x431BDE83, s22  }
0x68: {  	s3 =	sshra.s32 s12, $0x1F;
	s10 =	spop (v2sf);
	s2 =	smul.u32 $0x431BDE83, s23  }
0x69: {  	s29 =	sshra.s32 s30, $0x10;
	s0 =	sadd.s32 s6, s19;
	s14 =	smul.u32 $0x431BDE83, s3  }
0x6a: {  	(v2sf) =	vpush v2, $0x5;
	s26 =	sshrl.u32 s30, $0x1F;
	s15 =	spop (v2sf);
	s21 =	smulhi.u32 $0x431BDE83, s10  }
0x6b: {  	s16 =	sshra.s32 s10, $0x1F;
	s20 =	sshra.s32 s0, $0x10;
	s9 =	smulhi.u32 $0x431BDE83, s15  }
0x6c: {  	(v2sf) =	vpush v2, $0xB;
	s18 =	sshrl.u32 s0, $0x1F;
	s17 =	spop (v2sf);
	s13 =	smul.u32 $0x431BDE83, s16  }
0x6d: {  	s19 =	sshra.s32 s0, $0x1F;
	s6 =	sshra.s32 s15, $0x1F;
	(v2sf) =	vpush v2, $0x6;
	s22 =	smulhi.u32 $0x431BDE83, s17  }
0x6e: {  	s2 =	sadd.s32 s2, s4;
	[dreg:$0x5] =	wrdreg s14;
	s6 =	smul.u32 $0x431BDE83, s6  }
0x6f: {  	s31 =	sshra.s32 s17, $0x1F;
	s15 =	spop (v2sf);
	s17 =	smulhi.u32 $0x431BDE83, s12  }
0x70: {  	s28 =	sshrl.u32 s2, $0x1F;
	s23 =	spop (v2sf);
	s0 =	sadd.s32 s13, s21  }
0x71: {  	s13 =	sadd.s32 s8, s1;
	s8 =	smulhi.u32 $0x431BDE83, s15;
	s16 =	sshra.s32 s23, $0x1F  }
0x72: {  	s3 =	spop (v2sf);
	s11 =	smulhi.u32 $0x431BDE83, s23;
	s14 =	sshrl.u32 s0, $0x1F  }
0x73: {  	s0 =	sshra.s32 s0, $0x10;
	s10 =	sshra.s32 s3, $0x1F;
	s3 =	smulhi.u32 $0x431BDE83, s3  }
0x74: {  	s24 =	sshra.s32 s15, $0x1F;
	s6 =	sadd.s32 s6, s9;
	v3 =	vmov s0;
	s0 =	smul.u32 $0x431BDE83, s16  }
0x75: {  	s9 =	sshra.s32 s6, $0x10;
	s16 =	sshrl.u32 s6, $0x1F;
	s6 =	smul.u32 $0x431BDE83, s25  }
0x76: {  	s1 =	sshra.s32 s13, $0x1F;
	s10 =	smul.u32 $0x431BDE83, s10;
	s23 =	spop (v2sf)  }
0x77: {  	v3 =	vsel vm0, s9, v3;
	s9 =	sshra.s32 s2, $0x10;
	s2 =	sshra.s32 s2, $0x1F;
	s21 =	smulhi.u32 $0x431BDE83, s23  }
.Ltmp0:
0x78: {  	v4 =	vmov s14;
	s15 =	sadd.s32 s6, s5;
	s14 =	sshra.s32 s23, $0x1F;
	(pc) =	sbr.rel @p0 .LBB2_2-.Ltmp0, $4  }
0x79: {  	s6 =	sshra.s32 s15, $0x10;
	s25 =	smul.u32 $0x431BDE83, s14;
	s12 =	spop (v2sf)  }
0x7a: {  	s10 =	sadd.s32 s10, s3;
	s23 =	smulhi.u32 $0x431BDE83, s12;
	s4 =	sshra.s32 s12, $0x1F  }
0x7b: {  	v5 =	vmov s1;
	v4 =	vsel vm0, s16, v4;
	s12 =	sshra.s32 s30, $0x1F;
	s30 =	smul.u32 $0x431BDE83, s31;
	s16 =	spop (v2sf)  }
0x7c: {  	v5 =	vsel vm3, s6, v5;
	s6 =	sshra.s32 s15, $0x1F;
	s5 =	smulhi.u32 $0x431BDE83, s16;
	s1 =	spop (v2sf)  }
0x7d: {  	s0 =	sadd.s32 s0, s11  }
0x7e: {  	s3 =	sadd.s32 s30, s22;
	s24 =	smul.u32 $0x431BDE83, s24;
	s7 =	sshrl.u32 s15, $0x1F  }
0x7f: {  	v5 =	vsel vm9, s6, v5;
	s11 =	sshrl.u32 s10, $0x1F;
	s14 =	sshra.s32 s16, $0x1F;
	s16 =	rddreg [dreg:$0x5]  }
0x80: {  	s4 =	smul.u32 $0x431BDE83, s4;
	v5 =	vsel vm0, s29, v5;
	v6 =	vmov s7;
	s7 =	sadd.s32 s16, s17;
	s17 =	sshra.s32 s1, $0x1F  }
0x81: {  	s22 =	sshrl.u32 s0, $0x1F;
	s14 =	smul.u32 $0x431BDE83, s14;
	s6 =	sadd.s32 s24, s8;
	v5 =	vsel vm10, s12, v5  }
0x82: {  	v6 =	vnsel vm3, $0x0, v6;
	s8 =	smul.u32 $0x431BDE83, s17;
	s17 =	sshrl.u32 s3, $0x1F;
	s3 =	sshra.s32 s3, $0x10;
	v5 =	vsel vm1, s20, v5  }
0x83: {  	s0 =	sshra.s32 s0, $0x10;
	s24 =	sshrl.u32 s7, $0x1F;
	s4 =	sadd.s32 s4, s23;
	v6 =	vsel vm0, s26, v6;
	v4 =	vsel vm1, s17, v4;
	v3 =	vsel vm1, s3, v3  }
0x84: {  	s20 =	sshrl.u32 s4, $0x1F;
	s23 =	sshrl.u32 s6, $0x1F;
	s6 =	sshra.s32 s6, $0x10;
	v5 =	vsel vm11, s19, v5;
	v6 =	vsel vm1, s18, v6;
	v4 =	vsel vm2, s22, v4  }
0x85: {  	s26 =	sshra.s32 s4, $0x10;
	s14 =	sadd.s32 s14, s5;
	s18 =	smulhi.u32 $0x431BDE83, s1;
	v7 =	vmov s23;
	v8 =	vmov s6;
	v5 =	vsel vm2, s9, v5  }
0x86: {  	s16 =	sshra.s32 s4, $0x1F;
	s19 =	sshra.s32 s7, $0x10;
	s22 =	sshra.s32 s7, $0x1F;
	v3 =	vsel vm2, s0, v3;
	v6 =	vsel vm2, s28, v6;
	v5 =	vsel vm12, s2, v5  }
0x87: {  	v7 =	vsel vm0, s11, v7;
	v6 =	vsel vm4, s24, v6;
	s24 =	sshra.s32 s10, $0x10;
	s10 =	sadd.s32 s25, s21;
	s1 =	sadd.s32 s8, s18;
	v5 =	vsel vm4, s19, v5  }
0x88: {  	s15 =	sshrl.u32 s10, $0x1F;
	v6 =	vsel vm5, s20, v6;
	v8 =	vsel vm0, s24, v8;
	s17 =	sshra.s32 s10, $0x10;
	s18 =	sshra.s32 s1, $0x10;
	v5 =	vsel vm13, s22, v5  }
0x89: {  	s19 =	sshrl.u32 s14, $0x1F;
	s20 =	sshra.s32 s1, $0x1F;
	s1 =	sshrl.u32 s1, $0x1F;
	v7 =	vsel vm1, s15, v7;
	v8 =	vsel vm1, s17, v8;
	v5 =	vsel vm5, s26, v5  }
0x8a: {  	s2 =	sshra.s32 s14, $0x10;
	v6 =	vsel vm6, s1, v6;
	v7 =	vsel vm2, s19, v7;
	v5 =	vsel vm14, s16, v5  }
0x8b: {  	s22 =	sshrl.u32 s13, $0x1F;
	v8 =	vsel vm2, s2, v8;
	v4 =	vcombine.low v7, v4;
	v5 =	vsel vm6, s18, v5  }
0x8c: {  	s21 =	sshra.s32 s13, $0x10;
	v6 =	vsel vm7, s22, v6;
	v3 =	vcombine.low v8, v3;
	v5 =	vsel vm15, s20, v5  }
0x8d: {  	v6 =	vperm.xlane v6, v1;
	v4 =	vperm.xlane v4, v0;
	v5 =	vsel vm7, s21, v5  }
0x8e: {  	v3 =	vperm.xlane v3, v0;
	v5 =	vperm.xlane v5, v1;
	_ =	sdelay $0x1  }
0x8f: {  	v4 =	vsel vm8, v6, v4;
	v3 =	vsel vm8, v5, v3  }
0x90: {  	v3 =	vadd.s32 v4, v3  }
0x91: {  	v3 =	vmul.u32 $0x3D090, v3;
	_ =	sdelay $0x1  }
0x92: {  	s4 =	simm.s32 $0x400;
	s23 =	rddreg [dreg:$0x3];
	v2 =	vsub.s32 v2, v3  }
0x93: {  	s25 =	rddreg [dreg:$0xd];
	s24 =	simm.s32 $0x0;
	s26 =	simm.s32 $0x80;
	[tilespmem:s23+$0x0] =	vst v2  }
0x94: {  	[tilespmem:s4], [sflag:$0x1] =	stream.indirect.gather [hbm4b:s25+s26], $0x40, s24, s26, $0xb8;
	[tilespmem:$0x10400] =	vst v63  }
0x95: {  	s5 =	simm.s32 $0x2400  }
0x96: {  	[tilespmem:s5], [sflag:$0x1] =	stream.indirect.gather [hbm4b:s25+s26], $0x40, s26, s26, $0xb8;
	[tilespmem:$0x10400] =	vst v63  }
0x97: {  	s6 =	simm.s32 $0x100;
	s7 =	simm.s32 $0x4400  }
0x98: {  	[tilespmem:s7], [sflag:$0x1] =	stream.indirect.gather [hbm4b:s25+s26], $0x40, s6, s26, $0xb8;
	[tilespmem:$0x10400] =	vst v63  }
0x99: {  	s9 =	simm.s32 $0x6400;
	s8 =	simm.s32 $0x180  }
0x9a: {  	[tilespmem:s9], [sflag:$0x1] =	stream.indirect.gather [hbm4b:s25+s26], $0x40, s8, s26, $0xb8;
	[tilespmem:$0x10400] =	vst v63  }
0x9b: {  	s12 =	simm.s32 $0x5;
	s11 =	simm.s32 $0x200;
	s10 =	rddreg [dreg:$0xf]  }
0x9c: {  	[tilespmem:s11], [sflag:$0x5] =	stream.linear.gather [hbm4b:s10+s24], $0x200, $0x38;
	[tilespmem:$0x10400] =	vst v63  }
0x9d: {  	_ =	swait.ge [sflag:s12], $0x200  }
0x9e: {  	[sflag:s12] =	ssyncset.done $0x0  }
0x9f: {  	s13 =	simm.s32 $0x0;
	[sflag:s12] =	ssyncadd.s32 $0xFFFFFE00  }
0xa0: {  	v2 =	vld [tilespmem:s13+$0x200];
	_ =	sdelay $0x4  }
0xa1: {  	(v2sf) =	vpush v2, $0x0  }
0xa2: {  	(v2sf) =	vpush v2, $0x1  }
0xa3: {  	(v2sf) =	vpush v2, $0x2;
	_ =	sdelay $0x1  }
0xa4: {  	(v2sf) =	vpush v2, $0x7;
	_ =	sdelay $0x2  }
0xa5: {  	(v2sf) =	vpush v2, $0x3  }
0xa6: {  	(v2sf) =	vpush v2, $0x4;
	_ =	sdelay $0x1  }
0xa7: {  	(v2sf) =	vpush v2, $0xC  }
0xa8: {  	(v2sf) =	vpush v2, $0xD;
	_ =	sdelay $0x2  }
0xa9: {  	(v2sf) =	vpush v2, $0xE  }
0xaa: {  	s15 =	spop (v2sf)  }
0xab: {  	(v2sf) =	vpush v2, $0x8;
	s1 =	smulhi.u32 $0x431BDE83, s15;
	s16 =	spop (v2sf)  }
0xac: {  	(v2sf) =	vpush v2, $0xF;
	s17 =	smulhi.u32 $0x431BDE83, s16;
	s18 =	spop (v2sf)  }
0xad: {  	s2 =	sshra.s32 s16, $0x1F;
	s19 =	smulhi.u32 $0x431BDE83, s18  }
0xae: {  	(v2sf) =	vpush v2, $0x9;
	s20 =	spop (v2sf);
	s2 =	smul.u32 $0x431BDE83, s2  }
0xaf: {  	s14 =	simm.s32 $0x0;
	s5 =	sshra.s32 s18, $0x1F;
	s23 =	smulhi.u32 $0x431BDE83, s20  }
0xb0: {  	[dreg:$0x4] =	wrdreg s14;
	s7 =	sshra.s32 s20, $0x1F;
	s5 =	smul.u32 $0x431BDE83, s5  }
0xb1: {  	(v2sf) =	vpush v2, $0xA;
	s21 =	spop (v2sf);
	s25 =	smul.u32 $0x431BDE83, s7  }
0xb2: {  	s13 =	sshra.s32 s15, $0x1F;
	(v2sf) =	vpush v2, $0x5;
	s11 =	spop (v2sf);
	s15 =	smulhi.u32 $0x431BDE83, s21  }
0xb3: {  	s9 =	sshra.s32 s21, $0x1F;
	s22 =	sshra.s32 s11, $0x1F;
	s11 =	smulhi.u32 $0x431BDE83, s11  }
0xb4: {  	s24 =	spop (v2sf);
	s5 =	sadd.s32 s5, s19;
	s14 =	smul.u32 $0x431BDE83, s22  }
0xb5: {  	s26 =	spop (v2sf);
	s20 =	sshra.s32 s5, $0x10;
	s8 =	smulhi.u32 $0x431BDE83, s24  }
0xb6: {  	(v2sf) =	vpush v2, $0xB;
	s18 =	sshrl.u32 s5, $0x1F;
	s19 =	sshra.s32 s5, $0x1F;
	s5 =	smul.u32 $0x431BDE83, s9  }
0xb7: {  	s3 =	sshra.s32 s24, $0x1F;
	s16 =	smulhi.u32 $0x431BDE83, s26  }
0xb8: {  	s4 =	spop (v2sf);
	s7 =	smul.u32 $0x431BDE83, s3  }
0xb9: {  	(v2sf) =	vpush v2, $0x6;
	s17 =	sadd.s32 s2, s17;
	s0 =	sshra.s32 s26, $0x1F;
	s21 =	smulhi.u32 $0x431BDE83, s4  }
0xba: {  	s12 =	spop (v2sf);
	s3 =	sshra.s32 s4, $0x1F;
	s0 =	smul.u32 $0x431BDE83, s0  }
0xbb: {  	s2 =	sadd.s32 s5, s15;
	s22 =	spop (v2sf);
	s30 =	smulhi.u32 $0x431BDE83, s12  }
0xbc: {  	s26 =	sadd.s32 s7, s8;
	s9 =	sshra.s32 s22, $0x1F;
	s10 =	smulhi.u32 $0x431BDE83, s22  }
0xbd: {  	s16 =	sadd.s32 s0, s16;
	s0 =	smul.u32 $0x431BDE83, s9;
	s24 =	spop (v2sf)  }
0xbe: {  	s28 =	sshrl.u32 s2, $0x1F;
	s7 =	sshra.s32 s24, $0x1F;
	s6 =	smulhi.u32 $0x431BDE83, s24  }
0xbf: {  	s5 =	sshra.s32 s2, $0x10;
	s31 =	sshrl.u32 s26, $0x1F;
	s4 =	smul.u32 $0x431BDE83, s7  }
0xc0: {  	s8 =	spop (v2sf);
	s7 =	sshra.s32 s26, $0x10;
	s26 =	smul.u32 $0x431BDE83, s13  }
0xc1: {  	s24 =	sshra.s32 s16, $0x10;
	s29 =	spop (v2sf);
	s22 =	smulhi.u32 $0x431BDE83, s8  }
0xc2: {  	s9 =	sshra.s32 s8, $0x1F;
	s8 =	sshrl.u32 s16, $0x1F;
	s16 =	smul.u32 $0x431BDE83, s3  }
0xc3: {  	s2 =	sshra.s32 s2, $0x1F;
	s13 =	sadd.s32 s25, s23;
	s23 =	smulhi.u32 $0x431BDE83, s29  }
0xc4: {  	s25 =	sshrl.u32 s17, $0x1F;
	s9 =	smul.u32 $0x431BDE83, s9;
	s3 =	sshra.s32 s13, $0x1F  }
0xc5: {  	v4 =	vmov s31;
	v3 =	vmov s7;
	s7 =	simm.s32 $0x40;
	s31 =	spop (v2sf);
	s15 =	sadd.s32 s26, s1  }
0xc6: {  	s26 =	sadd.s32 s4, s6;
	s4 =	sshra.s32 s29, $0x1F;
	s1 =	sshra.s32 s12, $0x1F  }
0xc7: {  	s29 =	sshra.s32 s17, $0x10;
	s12 =	sshra.s32 s17, $0x1F;
	v5 =	vmov s3;
	s17 =	sshra.s32 s15, $0x10  }
0xc8: {  	v4 =	vsel vm0, s8, v4;
	v3 =	vsel vm0, s24, v3;
	s8 =	spop (v2sf);
	s6 =	sshra.s32 s15, $0x1F;
	v5 =	vsel vm3, s17, v5;
	s17 =	smulhi.u32 $0x431BDE83, s31  }
.LBB2_4:
0xc9: {  	s24 =	sshrl.u32 s26, $0x1F  }
0xca: {  	s1 =	smul.u32 $0x431BDE83, s1;
	s31 =	sshra.s32 s31, $0x1F;
	v5 =	vsel vm9, s6, v5;
	s15 =	sshrl.u32 s15, $0x1F  }
0xcb: {  	s4 =	smul.u32 $0x431BDE83, s4;
	s0 =	sadd.s32 s0, s10;
	v5 =	vsel vm0, s29, v5;
	s3 =	sadd.s32 s16, s21  }
0xcc: {  	v6 =	vmov s15;
	s6 =	sadd.s32 s14, s11;
	s16 =	sshra.s32 s8, $0x1F;
	s8 =	smulhi.u32 $0x431BDE83, s8;
	v5 =	vsel vm10, s12, v5  }
0xcd: {  	s15 =	smul.u32 $0x431BDE83, s31;
	v6 =	vnsel vm3, $0x0, v6;
	s21 =	sshrl.u32 s3, $0x1F;
	s10 =	sshra.s32 s3, $0x10;
	v5 =	vsel vm1, s20, v5  }
0xce: {  	s1 =	sadd.s32 s1, s30;
	s11 =	sshrl.u32 s0, $0x1F;
	s12 =	sshrl.u32 s6, $0x1F;
	v6 =	vsel vm0, s25, v6;
	v4 =	vsel vm1, s21, v4;
	v3 =	vsel vm1, s10, v3  }
0xcf: {  	s4 =	sadd.s32 s4, s23;
	s14 =	smul.u32 $0x431BDE83, s16;
	s0 =	sshra.s32 s0, $0x10;
	v5 =	vsel vm11, s19, v5;
	v6 =	vsel vm1, s18, v6;
	v4 =	vsel vm2, s11, v4  }
0xd0: {  	s3 =	sshra.s32 s6, $0x10;
	s19 =	sshrl.u32 s1, $0x1F;
	s1 =	sshra.s32 s1, $0x10;
	v3 =	vsel vm2, s0, v3;
	v5 =	vsel vm2, s5, v5;
	v6 =	vsel vm2, s28, v6  }
0xd1: {  	s23 =	sadd.s32 s9, s22;
	s16 =	sshrl.u32 s4, $0x1F;
	s20 =	sshra.s32 s26, $0x10;
	v7 =	vmov s19;
	v8 =	vmov s1;
	v5 =	vsel vm12, s2, v5  }
0xd2: {  	s21 =	sshra.s32 s4, $0x10;
	s25 =	sadd.s32 s15, s17;
	s18 =	sshra.s32 s6, $0x1F;
	v6 =	vsel vm4, s12, v6;
	v7 =	vsel vm0, s24, v7;
	v5 =	vsel vm4, s3, v5  }
0xd3: {  	s26 =	sshrl.u32 s23, $0x1F;
	s10 =	sshra.s32 s23, $0x10;
	s8 =	sadd.s32 s14, s8;
	v8 =	vsel vm0, s20, v8;
	v6 =	vsel vm5, s16, v6;
	v5 =	vsel vm13, s18, v5  }
0xd4: {  	s4 =	sshra.s32 s4, $0x1F;
	s9 =	sshrl.u32 s8, $0x1F;
	s2 =	sshrl.u32 s25, $0x1F;
	v7 =	vsel vm1, s26, v7;
	v8 =	vsel vm1, s10, v8;
	v5 =	vsel vm5, s21, v5  }
0xd5: {  	s11 =	sshra.s32 s8, $0x10;
	s3 =	sshra.s32 s25, $0x10;
	v6 =	vsel vm6, s9, v6;
	v7 =	vsel vm2, s2, v7;
	v5 =	vsel vm14, s4, v5  }
0xd6: {  	s14 =	sshra.s32 s8, $0x1F;
	s12 =	sshrl.u32 s13, $0x1F;
	v8 =	vsel vm2, s3, v8;
	v4 =	vcombine.low v7, v4;
	v5 =	vsel vm6, s11, v5  }
0xd7: {  	s15 =	sshra.s32 s13, $0x10;
	v3 =	vcombine.low v8, v3;
	v6 =	vsel vm7, s12, v6;
	v5 =	vsel vm15, s14, v5  }
0xd8: {  	v6 =	vperm.xlane v6, v1;
	v4 =	vperm.xlane v4, v0;
	v5 =	vsel vm7, s15, v5  }
0xd9: {  	v3 =	vperm.xlane v3, v0;
	v5 =	vperm.xlane v5, v1;
	_ =	sdelay $0x1  }
0xda: {  	v4 =	vsel vm8, v6, v4;
	v3 =	vsel vm8, v5, v3  }
0xdb: {  	v3 =	vadd.s32 v4, v3  }
0xdc: {  	v3 =	vmul.u32 $0x3D090, v3;
	_ =	sdelay $0x1  }
0xdd: {  	s17 =	rddreg [dreg:$0x4];
	s16 =	smov.u32 s7;
	v2 =	vsub.s32 v2, v3  }
0xde: {  	s18 =	sshra.s32 s16, $0x2;
	[tilespmem:s17+$0x200] =	vst v2  }
0xdf: {  	v2 =	vld [tilespmem:s18+$0x200];
	_ =	sdelay $0x4  }
0xe0: {  	(v2sf) =	vpush v2, $0x0  }
0xe1: {  	(v2sf) =	vpush v2, $0x1  }
0xe2: {  	(v2sf) =	vpush v2, $0x2;
	_ =	sdelay $0x1  }
0xe3: {  	(v2sf) =	vpush v2, $0x7;
	_ =	sdelay $0x2  }
0xe4: {  	(v2sf) =	vpush v2, $0x3  }
0xe5: {  	(v2sf) =	vpush v2, $0x4;
	_ =	sdelay $0x1  }
0xe6: {  	(v2sf) =	vpush v2, $0xC;
	_ =	sdelay $0x1  }
0xe7: {  	(v2sf) =	vpush v2, $0xD;
	_ =	sdelay $0x1  }
0xe8: {  	(v2sf) =	vpush v2, $0xE  }
0xe9: {  	(v2sf) =	vpush v2, $0x8;
	s19 =	spop (v2sf)  }
0xea: {  	(v2sf) =	vpush v2, $0xF;
	s17 =	smulhi.u32 $0x431BDE83, s19;
	s20 =	spop (v2sf)  }
0xeb: {  	s21 =	smulhi.u32 $0x431BDE83, s20;
	s22 =	spop (v2sf)  }
0xec: {  	(v2sf) =	vpush v2, $0x9;
	s0 =	sshra.s32 s20, $0x1F;
	s23 =	smulhi.u32 $0x431BDE83, s22  }
0xed: {  	p0 =	sne.s32 s7, $0x7C0;
	s25 =	spop (v2sf);
	s0 =	smul.u32 $0x431BDE83, s0  }
0xee: {  	s7 =	sadd.s32 $0x40, s7;
	s2 =	sshra.s32 s22, $0x1F;
	s13 =	smulhi.u32 $0x431BDE83, s25  }
0xef: {  	[dreg:$0x4] =	wrdreg s18;
	s5 =	sshra.s32 s25, $0x1F;
	s15 =	smul.u32 $0x431BDE83, s2  }
0xf0: {  	s9 =	sshra.s32 s19, $0x1F;
	(v2sf) =	vpush v2, $0xA;
	s26 =	spop (v2sf);
	s8 =	smul.u32 $0x431BDE83, s5  }
0xf1: {  	s3 =	sshra.s32 s26, $0x1F;
	s11 =	spop (v2sf);
	s4 =	smulhi.u32 $0x431BDE83, s26  }
0xf2: {  	s24 =	sadd.s32 s0, s21;
	s0 =	sadd.s32 s15, s23;
	s15 =	smul.u32 $0x431BDE83, s3  }
0xf3: {  	s14 =	sshra.s32 s11, $0x1F;
	s16 =	spop (v2sf);
	s11 =	smulhi.u32 $0x431BDE83, s11  }
0xf4: {  	(v2sf) =	vpush v2, $0x5;
	s29 =	sshra.s32 s24, $0x10;
	s25 =	sshrl.u32 s24, $0x1F;
	s14 =	smul.u32 $0x431BDE83, s14  }
0xf5: {  	s20 =	spop (v2sf);
	s21 =	sshra.s32 s16, $0x1F;
	s23 =	smulhi.u32 $0x431BDE83, s16  }
0xf6: {  	(v2sf) =	vpush v2, $0xB;
	s18 =	sshrl.u32 s0, $0x1F;
	s19 =	sshra.s32 s0, $0x1F;
	s6 =	smulhi.u32 $0x431BDE83, s20  }
0xf7: {  	s2 =	sshra.s32 s20, $0x1F;
	s22 =	spop (v2sf);
	s5 =	smul.u32 $0x431BDE83, s21;
	(v2sf) =	vpush v2, $0x6  }
0xf8: {  	s20 =	sshra.s32 s0, $0x10;
	s21 =	smulhi.u32 $0x431BDE83, s22;
	s12 =	spop (v2sf)  }
0xf9: {  	s16 =	sshra.s32 s22, $0x1F;
	s2 =	smul.u32 $0x431BDE83, s2;
	s26 =	spop (v2sf)  }
0xfa: {  	s0 =	sadd.s32 s5, s23;
	s16 =	smul.u32 $0x431BDE83, s16;
	s22 =	sshra.s32 s26, $0x1F  }
0xfb: {  	s3 =	spop (v2sf);
	s10 =	smulhi.u32 $0x431BDE83, s26;
	s26 =	sshrl.u32 s0, $0x1F  }
0xfc: {  	s0 =	sshra.s32 s0, $0x10;
	s5 =	sshra.s32 s3, $0x1F;
	s3 =	smulhi.u32 $0x431BDE83, s3  }
0xfd: {  	s13 =	sadd.s32 s8, s13;
	s2 =	sadd.s32 s2, s6;
	v3 =	vmov s0;
	s0 =	smul.u32 $0x431BDE83, s22  }
0xfe: {  	s4 =	sadd.s32 s15, s4;
	v4 =	vmov s26;
	s15 =	sshrl.u32 s2, $0x1F;
	s6 =	smul.u32 $0x431BDE83, s5  }
0xff: {  	s8 =	sshra.s32 s13, $0x1F;
	v4 =	vsel vm0, s15, v4;
	s15 =	smul.u32 $0x431BDE83, s9;
	s23 =	spop (v2sf)  }
0x100: {  	s28 =	sshrl.u32 s4, $0x1F;
	s30 =	sshra.s32 s23, $0x1F;
	s22 =	smulhi.u32 $0x431BDE83, s23  }
0x101: {  	s1 =	sshra.s32 s12, $0x1F;
	s5 =	sshra.s32 s2, $0x10;
	s9 =	smul.u32 $0x431BDE83, s30  }
.Ltmp1:
0x102: {  	s2 =	sshra.s32 s4, $0x1F;
	v3 =	vsel vm0, s5, v3;
	s5 =	sshra.s32 s4, $0x10;
	(pc) =	sbr.rel @p0 .LBB2_4-.Ltmp1, $4  }
0x103: {  	s15 =	sadd.s32 s15, s17;
	s30 =	smulhi.u32 $0x431BDE83, s12;
	s26 =	spop (v2sf)  }
0x104: {  	s12 =	sshra.s32 s24, $0x1F;
	s24 =	sshra.s32 s15, $0x10;
	s23 =	smulhi.u32 $0x431BDE83, s26  }
0x105: {  	v5 =	vmov s8;
	s4 =	sshra.s32 s26, $0x1F;
	s26 =	sadd.s32 s6, s3;
	s31 =	spop (v2sf)  }
0x106: {  	v5 =	vsel vm3, s24, v5;
	s6 =	sshra.s32 s15, $0x1F;
	s17 =	smulhi.u32 $0x431BDE83, s31;
	s8 =	spop (v2sf)  }
0x107: {  	s1 =	smul.u32 $0x431BDE83, s1  }
0x108: {  	s0 =	sadd.s32 s0, s10;
	s3 =	sadd.s32 s16, s21;
	s10 =	sshrl.u32 s15, $0x1F  }
0x109: {  	v5 =	vsel vm9, s6, v5;
	s4 =	smul.u32 $0x431BDE83, s4;
	s15 =	sshra.s32 s8, $0x1F;
	s7 =	sadd.s32 s14, s11  }
0x10a: {  	s9 =	sadd.s32 s9, s22;
	s22 =	smulhi.u32 $0x431BDE83, s8;
	v5 =	vsel vm0, s29, v5;
	v6 =	vmov s10;
	s21 =	sshrl.u32 s3, $0x1F  }
0x10b: {  	s16 =	sshra.s32 s31, $0x1F;
	s6 =	smul.u32 $0x431BDE83, s15;
	s3 =	sshra.s32 s3, $0x10;
	v5 =	vsel vm10, s12, v5;
	v6 =	vnsel vm3, $0x0, v6;
	v4 =	vsel vm1, s21, v4  }
0x10c: {  	s10 =	smul.u32 $0x431BDE83, s16;
	s24 =	sshrl.u32 s7, $0x1F;
	v3 =	vsel vm1, s3, v3;
	v5 =	vsel vm1, s20, v5;
	v6 =	vsel vm0, s25, v6;
	s20 =	sshrl.u32 s0, $0x1F  }
0x10d: {  	s29 =	sshrl.u32 s26, $0x1F;
	s1 =	sadd.s32 s1, s30;
	s0 =	sshra.s32 s0, $0x10;
	v5 =	vsel vm11, s19, v5;
	v6 =	vsel vm1, s18, v6;
	v4 =	vsel vm2, s20, v4  }
0x10e: {  	s8 =	sshrl.u32 s9, $0x1F;
	s11 =	sshra.s32 s9, $0x10;
	v3 =	vsel vm2, s0, v3;
	v5 =	vsel vm2, s5, v5;
	v6 =	vsel vm2, s28, v6;
	s28 =	sshrl.u32 s1, $0x1F  }
0x10f: {  	s4 =	sadd.s32 s4, s23;
	s25 =	sshra.s32 s7, $0x10;
	s1 =	sshra.s32 s1, $0x10;
	v5 =	vsel vm12, s2, v5;
	v6 =	vsel vm4, s24, v6;
	v7 =	vmov s28  }
0x110: {  	s30 =	sshra.s32 s7, $0x1F;
	s31 =	sshrl.u32 s4, $0x1F;
	s7 =	sshra.s32 s26, $0x10;
	v8 =	vmov s1;
	v5 =	vsel vm4, s25, v5;
	v7 =	vsel vm0, s29, v7  }
0x111: {  	s23 =	sadd.s32 s10, s17;
	s6 =	sadd.s32 s6, s22;
	s3 =	sshra.s32 s4, $0x10;
	v6 =	vsel vm5, s31, v6;
	v8 =	vsel vm0, s7, v8;
	v5 =	vsel vm13, s30, v5  }
0x112: {  	s10 =	sshra.s32 s4, $0x1F;
	s14 =	sshrl.u32 s23, $0x1F;
	s17 =	sshrl.u32 s6, $0x1F;
	v7 =	vsel vm1, s8, v7;
	v8 =	vsel vm1, s11, v8;
	v5 =	vsel vm5, s3, v5  }
0x113: {  	s12 =	sshra.s32 s6, $0x10;
	s15 =	sshra.s32 s23, $0x10;
	v6 =	vsel vm6, s17, v6;
	v7 =	vsel vm2, s14, v7;
	v5 =	vsel vm14, s10, v5  }
0x114: {  	s16 =	sshra.s32 s6, $0x1F;
	s19 =	sshrl.u32 s13, $0x1F;
	v8 =	vsel vm2, s15, v8;
	v4 =	vcombine.low v7, v4;
	v5 =	vsel vm6, s12, v5  }
0x115: {  	s18 =	sshra.s32 s13, $0x10;
	v6 =	vsel vm7, s19, v6;
	v3 =	vcombine.low v8, v3;
	v5 =	vsel vm15, s16, v5  }
0x116: {  	v6 =	vperm.xlane v6, v1;
	v4 =	vperm.xlane v4, v0;
	v5 =	vsel vm7, s18, v5  }
0x117: {  	v3 =	vperm.xlane v3, v0;
	v5 =	vperm.xlane v5, v1;
	_ =	sdelay $0x1  }
0x118: {  	v4 =	vsel vm8, v6, v4;
	v3 =	vsel vm8, v5, v3  }
0x119: {  	v3 =	vadd.s32 v4, v3  }
0x11a: {  	v3 =	vmul.u32 $0x3D090, v3  }
0x11b: {  	s21 =	rddreg [dreg:$0xd]  }
0x11c: {  	s20 =	rddreg [dreg:$0x4];
	v2 =	vsub.s32 v2, v3  }
0x11d: {  	s22 =	simm.s32 $0x80;
	s23 =	simm.s32 $0x200;
	s24 =	simm.s32 $0x8400;
	[tilespmem:s20+$0x200] =	vst v2  }
0x11e: {  	[tilespmem:s24], [sflag:$0x2] =	stream.indirect.gather [hbm4b:s21+s22], $0x40, s23, s22, $0xb8;
	[tilespmem:$0x10400] =	vst v63  }
0x11f: {  	s26 =	simm.s32 $0xA400;
	s25 =	simm.s32 $0x280  }
0x120: {  	[tilespmem:s26], [sflag:$0x2] =	stream.indirect.gather [hbm4b:s21+s22], $0x40, s25, s22, $0xb8;
	[tilespmem:$0x10400] =	vst v63  }
0x121: {  	s28 =	simm.s32 $0x300;
	s29 =	simm.s32 $0xC400  }
0x122: {  	[tilespmem:s29], [sflag:$0x2] =	stream.indirect.gather [hbm4b:s21+s22], $0x40, s28, s22, $0xb8;
	[tilespmem:$0x10400] =	vst v63  }
0x123: {  	s31 =	simm.s32 $0xE400;
	s30 =	simm.s32 $0x380;
	s3 =	simm.s32 $0x0  }
0x124: {  	[tilespmem:s31], [sflag:$0x2] =	stream.indirect.gather [hbm4b:s21+s22], $0x40, s30, s22, $0xb8;
	[tilespmem:$0x10400] =	vst v63  }
.LBB2_6:
0x125: {  	s2 =	simm.s32 $0x1  }
0x126: {  	_ =	swait.ge [sflag:s2], $0x8000  }
0x127: {  	s0 =	sshll.u32 s3, $0x10;
	s1 =	rddreg [dreg:$0xc];
	[sflag:s2] =	ssyncset.done $0x0  }
0x128: {  	s13 =	simm.s32 $0x400;
	s0 =	sadd.s32 s1, s0;
	[sflag:s2] =	ssyncadd.s32 $0xFFFF8000  }
0x129: {  	s14 =	simm.s32 $0x0;
	s0 =	sshrl.u32 s0, $0x3;
	s12 =	rddreg [dreg:$0x1]  }
0x12a: {  	s15 =	sshll.u32 s3, $0xA;
	s16 =	rddreg [dreg:$0x10];
	s0 =	sadd.s32 s12, s0  }
0x12b: {  	[hbm4b:s0+s14] =	stream.linear.scatter [tilespmem:s13], [sflag:$0x3], $0x8000, $0x38;
	[tilespmem:$0x10400] =	vst v63  }
0x12c: {  	[dreg:$0x17] =	wrdreg s3;
	s0 =	sadd.s32 s15, s16  }
0x12d: {  	s17 =	rddreg [dreg:$0xb];
	s0 =	sshrl.u32 s0, $0x3  }
0x12e: {  	s18 =	simm.s32 $0x5;
	[dreg:$0x18] =	wrdreg s15;
	s0 =	sadd.s32 s17, s0  }
0x12f: {  	[tilespmem:s14], [sflag:$0x5] =	stream.linear.gather [hbm4b:s0+s14], $0x200, $0x38;
	[tilespmem:$0x10400] =	vst v63  }
0x130: {  	_ =	swait.ge [sflag:s18], $0x200  }
0x131: {  	[sflag:s18] =	ssyncset.done $0x0  }
0x132: {  	s20 =	simm.s32 $0x0;
	[sflag:s18] =	ssyncadd.s32 $0xFFFFFE00  }
0x133: {  	v2 =	vld [tilespmem:s20+$0x0];
	_ =	sdelay $0x4  }
0x134: {  	(v2sf) =	vpush v2, $0x0  }
0x135: {  	(v2sf) =	vpush v2, $0x1;
	_ =	sdelay $0x1  }
0x136: {  	(v2sf) =	vpush v2, $0x2;
	_ =	sdelay $0x1  }
0x137: {  	(v2sf) =	vpush v2, $0x7;
	_ =	sdelay $0x2  }
0x138: {  	(v2sf) =	vpush v2, $0x3  }
0x139: {  	(v2sf) =	vpush v2, $0x4;
	_ =	sdelay $0x1  }
0x13a: {  	(v2sf) =	vpush v2, $0xC  }
0x13b: {  	(v2sf) =	vpush v2, $0xD;
	_ =	sdelay $0x2  }
0x13c: {  	(v2sf) =	vpush v2, $0xE;
	s19 =	spop (v2sf)  }
0x13d: {  	(v2sf) =	vpush v2, $0x8;
	s29 =	smulhi.u32 $0x431BDE83, s19;
	s21 =	spop (v2sf)  }
0x13e: {  	(v2sf) =	vpush v2, $0xF;
	s1 =	sshra.s32 s19, $0x1F;
	s22 =	smulhi.u32 $0x431BDE83, s21  }
0x13f: {  	s4 =	spop (v2sf);
	s1 =	smul.u32 $0x431BDE83, s1  }
0x140: {  	s2 =	sshra.s32 s21, $0x1F;
	s5 =	smulhi.u32 $0x431BDE83, s4  }
0x141: {  	s6 =	spop (v2sf);
	s2 =	smul.u32 $0x431BDE83, s2  }
0x142: {  	(v2sf) =	vpush v2, $0x9;
	s4 =	sshra.s32 s4, $0x1F;
	s9 =	smulhi.u32 $0x431BDE83, s6  }
0x143: {  	s6 =	sshra.s32 s6, $0x1F;
	s4 =	smul.u32 $0x431BDE83, s4  }
0x144: {  	s8 =	spop (v2sf);
	s6 =	smul.u32 $0x431BDE83, s6  }
0x145: {  	(v2sf) =	vpush v2, $0xA;
	s10 =	spop (v2sf);
	s14 =	smulhi.u32 $0x431BDE83, s8  }
0x146: {  	(v2sf) =	vpush v2, $0x5;
	s8 =	sshra.s32 s8, $0x1F;
	s3 =	sadd.s32 s2, s22;
	s11 =	sshra.s32 s10, $0x1F  }
0x147: {  	s12 =	spop (v2sf);
	s4 =	sadd.s32 s4, s5;
	s8 =	smul.u32 $0x431BDE83, s8  }
0x148: {  	s30 =	sshrl.u32 s3, $0x1F;
	s13 =	smul.u32 $0x431BDE83, s11;
	s23 =	spop (v2sf)  }
0x149: {  	(v2sf) =	vpush v2, $0xB;
	s15 =	sshra.s32 s12, $0x1F;
	s25 =	sshra.s32 s4, $0x10;
	s0 =	smulhi.u32 $0x431BDE83, s12  }
0x14a: {  	s21 =	sshrl.u32 s4, $0x1F;
	s22 =	sshra.s32 s4, $0x1F;
	s16 =	smulhi.u32 $0x431BDE83, s23  }
0x14b: {  	(v2sf) =	vpush v2, $0x6;
	s24 =	spop (v2sf);
	s15 =	smul.u32 $0x431BDE83, s15;
	s26 =	sshra.s32 s23, $0x1F  }
0x14c: {  	s2 =	sadd.s32 s8, s14;
	s28 =	smulhi.u32 $0x431BDE83, s24;
	s4 =	spop (v2sf)  }
0x14d: {  	s18 =	sshra.s32 s24, $0x1F;
	s5 =	smul.u32 $0x431BDE83, s26;
	s7 =	spop (v2sf)  }
0x14e: {  	s15 =	sadd.s32 s15, s0;
	s12 =	sshra.s32 s7, $0x1F;
	s17 =	smulhi.u32 $0x431BDE83, s7  }
0x14f: {  	s7 =	sshrl.u32 s15, $0x1F;
	s5 =	sadd.s32 s5, s16;
	s16 =	sshra.s32 s15, $0x10  }
0x150: {  	s15 =	sadd.s32 s1, s29;
	s1 =	sshra.s32 s4, $0x1F;
	s4 =	smulhi.u32 $0x431BDE83, s4  }
0x151: {  	s31 =	sshrl.u32 s2, $0x1F;
	s8 =	smul.u32 $0x431BDE83, s12;
	s19 =	spop (v2sf)  }
0x152: {  	s0 =	sshra.s32 s5, $0x10;
	v4 =	vmov s7;
	s7 =	sshra.s32 s15, $0x10;
	s24 =	smulhi.u32 $0x431BDE83, s19  }
0x153: {  	s23 =	sshra.s32 s19, $0x1F;
	s19 =	sadd.s32 s6, s9;
	s6 =	smul.u32 $0x431BDE83, s18  }
0x154: {  	s26 =	spop (v2sf);
	s9 =	sshrl.u32 s5, $0x1F;
	s11 =	smul.u32 $0x431BDE83, s23  }
0x155: {  	s5 =	sshra.s32 s3, $0x10;
	s23 =	smulhi.u32 $0x431BDE83, s10;
	s14 =	spop (v2sf)  }
0x156: {  	s12 =	sshra.s32 s26, $0x1F;
	s26 =	smulhi.u32 $0x431BDE83, s26;
	s18 =	sshra.s32 s19, $0x1F  }
0x157: {  	s29 =	smul.u32 $0x431BDE83, s12;
	s12 =	sshra.s32 s14, $0x1F;
	v5 =	vmov s18;
	s18 =	simm.s32 $0x40  }
0x158: {  	v3 =	vmov s16;
	s16 =	spop (v2sf);
	s10 =	sadd.s32 s11, s24;
	s11 =	sshra.s32 s2, $0x10  }
0x159: {  	s2 =	sshra.s32 s2, $0x1F;
	s24 =	smulhi.u32 $0x431BDE83, s14;
	s14 =	sshra.s32 s3, $0x1F  }
0x15a: {  	v3 =	vsel vm0, s0, v3;
	v4 =	vsel vm0, s9, v4;
	v5 =	vsel vm3, s7, v5;
	s9 =	smulhi.u32 $0x431BDE83, s16;
	s0 =	spop (v2sf);
	s3 =	sshra.s32 s15, $0x1F  }
.LBB2_7:
0x15b: {  	s7 =	sshrl.u32 s10, $0x1F  }
0x15c: {  	s1 =	smul.u32 $0x431BDE83, s1;
	s16 =	sshra.s32 s16, $0x1F;
	v5 =	vsel vm9, s3, v5;
	s3 =	sadd.s32 s8, s17  }
0x15d: {  	s17 =	sshrl.u32 s15, $0x1F;
	s12 =	smul.u32 $0x431BDE83, s12;
	v5 =	vsel vm0, s5, v5;
	s6 =	sadd.s32 s6, s28  }
0x15e: {  	v6 =	vmov s17;
	s17 =	sshrl.u32 s3, $0x1F;
	s26 =	sadd.s32 s29, s26;
	s1 =	sadd.s32 s1, s4;
	v5 =	vsel vm10, s14, v5  }
0x15f: {  	s4 =	sadd.s32 s13, s23;
	v6 =	vnsel vm3, $0x0, v6;
	s23 =	sshra.s32 s0, $0x1F;
	s5 =	sshra.s32 s6, $0x10;
	v5 =	vsel vm1, s25, v5  }
0x160: {  	s25 =	sshrl.u32 s6, $0x1F;
	v6 =	vsel vm0, s30, v6;
	s14 =	smul.u32 $0x431BDE83, s23;
	s23 =	sshrl.u32 s1, $0x1F;
	v3 =	vsel vm1, s5, v3;
	v5 =	vsel vm11, s22, v5  }
0x161: {  	s3 =	sshra.s32 s3, $0x10;
	s12 =	sadd.s32 s12, s24;
	s1 =	sshra.s32 s1, $0x10;
	v4 =	vsel vm1, s25, v4;
	v6 =	vsel vm1, s21, v6;
	v7 =	vmov s23  }
0x162: {  	s13 =	smulhi.u32 $0x431BDE83, s0;
	s24 =	sshra.s32 s10, $0x10;
	s8 =	sshrl.u32 s4, $0x1F;
	v8 =	vmov s1;
	v3 =	vsel vm2, s3, v3;
	v5 =	vsel vm2, s11, v5  }
0x163: {  	s15 =	sshra.s32 s4, $0x10;
	s21 =	sshrl.u32 s12, $0x1F;
	v4 =	vsel vm2, s17, v4;
	s17 =	smul.u32 $0x431BDE83, s16;
	v6 =	vsel vm2, s31, v6;
	v5 =	vsel vm12, s2, v5  }
0x164: {  	s22 =	sshra.s32 s4, $0x1F;
	s25 =	sshra.s32 s12, $0x10;
	s4 =	sshra.s32 s26, $0x10;
	v7 =	vsel vm0, s7, v7;
	v8 =	vsel vm0, s24, v8;
	v5 =	vsel vm4, s15, v5  }
0x165: {  	s0 =	sadd.s32 s14, s13;
	v6 =	vsel vm4, s8, v6;
	s8 =	sshrl.u32 s26, $0x1F;
	v8 =	vsel vm1, s4, v8;
	s7 =	sadd.s32 s17, s9;
	v5 =	vsel vm13, s22, v5  }
0x166: {  	s10 =	sshra.s32 s12, $0x1F;
	s11 =	sshrl.u32 s0, $0x1F;
	v6 =	vsel vm5, s21, v6;
	v7 =	vsel vm1, s8, v7;
	s2 =	sshrl.u32 s7, $0x1F;
	v5 =	vsel vm5, s25, v5  }
0x167: {  	s12 =	sshra.s32 s0, $0x10;
	s9 =	sshra.s32 s7, $0x10;
	v6 =	vsel vm6, s11, v6;
	v7 =	vsel vm2, s2, v7;
	v5 =	vsel vm14, s10, v5  }
0x168: {  	s13 =	sshrl.u32 s19, $0x1F;
	s0 =	sshra.s32 s0, $0x1F;
	v8 =	vsel vm2, s9, v8;
	v4 =	vcombine.low v7, v4;
	v5 =	vsel vm6, s12, v5  }
0x169: {  	s14 =	sshra.s32 s19, $0x10;
	v6 =	vsel vm7, s13, v6;
	v3 =	vcombine.low v8, v3;
	v5 =	vsel vm15, s0, v5  }
0x16a: {  	v6 =	vperm.xlane v6, v1;
	v4 =	vperm.xlane v4, v0;
	v5 =	vsel vm7, s14, v5  }
0x16b: {  	v3 =	vperm.xlane v3, v0;
	v5 =	vperm.xlane v5, v1;
	_ =	sdelay $0x1  }
0x16c: {  	v4 =	vsel vm8, v6, v4;
	v3 =	vsel vm8, v5, v3  }
0x16d: {  	v3 =	vadd.s32 v4, v3  }
0x16e: {  	v3 =	vmul.u32 $0x3D090, v3;
	_ =	sdelay $0x1  }
0x16f: {  	s15 =	smov.u32 s18;
	v2 =	vsub.s32 v2, v3  }
0x170: {  	s16 =	sshra.s32 s15, $0x2;
	[tilespmem:s20+$0x0] =	vst v2  }
0x171: {  	v2 =	vld [tilespmem:s16+$0x0];
	_ =	sdelay $0x4  }
0x172: {  	(v2sf) =	vpush v2, $0x0  }
0x173: {  	(v2sf) =	vpush v2, $0x1  }
0x174: {  	(v2sf) =	vpush v2, $0x2;
	_ =	sdelay $0x1  }
0x175: {  	(v2sf) =	vpush v2, $0x7  }
0x176: {  	(v2sf) =	vpush v2, $0x3;
	_ =	sdelay $0x1  }
0x177: {  	(v2sf) =	vpush v2, $0x4  }
0x178: {  	(v2sf) =	vpush v2, $0xC;
	_ =	sdelay $0x1  }
0x179: {  	(v2sf) =	vpush v2, $0xD;
	_ =	sdelay $0x2  }
0x17a: {  	(v2sf) =	vpush v2, $0xE;
	_ =	sdelay $0x1  }
0x17b: {  	[dreg:$0x7] =	wrdreg s16;
	(v2sf) =	vpush v2, $0x8;
	s17 =	spop (v2sf)  }
0x17c: {  	p0 =	sne.s32 s18, $0x7C0;
	(v2sf) =	vpush v2, $0xF;
	s19 =	smulhi.u32 $0x431BDE83, s17;
	s20 =	spop (v2sf)  }
0x17d: {  	s18 =	sadd.s32 $0x40, s18;
	(v2sf) =	vpush v2, $0x9;
	s21 =	smulhi.u32 $0x431BDE83, s20;
	s22 =	spop (v2sf)  }
0x17e: {  	s0 =	sshra.s32 s20, $0x1F;
	[dreg:$0x8] =	wrdreg s19;
	s23 =	smulhi.u32 $0x431BDE83, s22  }
0x17f: {  	s9 =	sshra.s32 s17, $0x1F;
	s24 =	spop (v2sf);
	s0 =	smul.u32 $0x431BDE83, s0  }
0x180: {  	s2 =	sshra.s32 s22, $0x1F;
	s19 =	smulhi.u32 $0x431BDE83, s24;
	s25 =	spop (v2sf)  }
0x181: {  	s4 =	sshra.s32 s24, $0x1F;
	s11 =	smul.u32 $0x431BDE83, s2;
	s26 =	sshra.s32 s25, $0x1F  }
0x182: {  	s8 =	spop (v2sf);
	s29 =	smul.u32 $0x431BDE83, s4;
	s0 =	sadd.s32 s0, s21  }
0x183: {  	(v2sf) =	vpush v2, $0xA;
	s3 =	smulhi.u32 $0x431BDE83, s25;
	s10 =	sshra.s32 s8, $0x1F;
	s12 =	spop (v2sf)  }
0x184: {  	s5 =	sshra.s32 s0, $0x10;
	s1 =	sadd.s32 s11, s23;
	s7 =	smul.u32 $0x431BDE83, s26  }
0x185: {  	s30 =	sshrl.u32 s0, $0x1F;
	s10 =	smul.u32 $0x431BDE83, s10;
	s14 =	spop (v2sf)  }
0x186: {  	s15 =	sshra.s32 s12, $0x1F;
	s17 =	sshra.s32 s1, $0x10;
	s2 =	smulhi.u32 $0x431BDE83, s12  }
0x187: {  	(v2sf) =	vpush v2, $0x5;
	s25 =	sshrl.u32 s1, $0x1F;
	s22 =	sshra.s32 s1, $0x1F;
	s6 =	smulhi.u32 $0x431BDE83, s14  }
0x188: {  	s19 =	sadd.s32 s29, s19;
	s16 =	spop (v2sf);
	s11 =	smul.u32 $0x431BDE83, s15  }
0x189: {  	(v2sf) =	vpush v2, $0xB;
	[dreg:$0xa] =	wrdreg s17;
	s3 =	sadd.s32 s7, s3;
	s7 =	smul.u32 $0x431BDE83, s9  }
0x18a: {  	s4 =	sshra.s32 s14, $0x1F;
	(v2sf) =	vpush v2, $0x6;
	s28 =	smulhi.u32 $0x431BDE83, s16;
	s14 =	spop (v2sf)  }
0x18b: {  	s9 =	sshra.s32 s19, $0x1F;
	s4 =	smul.u32 $0x431BDE83, s4;
	s20 =	spop (v2sf)  }
0x18c: {  	s2 =	sadd.s32 s11, s2;
	s21 =	spop (v2sf);
	s17 =	smulhi.u32 $0x431BDE83, s20  }
0x18d: {  	s15 =	sshra.s32 s20, $0x1F;
	s23 =	sshra.s32 s21, $0x1F;
	s20 =	smulhi.u32 $0x431BDE83, s21  }
0x18e: {  	s13 =	sshra.s32 s16, $0x1F;
	s24 =	sshrl.u32 s2, $0x1F;
	s21 =	smul.u32 $0x431BDE83, s23  }
0x18f: {  	s4 =	sadd.s32 s4, s6;
	s2 =	sshra.s32 s2, $0x10;
	s23 =	smulhi.u32 $0x431BDE83, s8  }
0x190: {  	s31 =	sshrl.u32 s3, $0x1F;
	s6 =	sshra.s32 s4, $0x10;
	v3 =	vmov s2;
	s8 =	smul.u32 $0x431BDE83, s15  }
0x191: {  	s1 =	sshra.s32 s14, $0x1F;
	v4 =	vmov s24;
	v3 =	vsel vm0, s6, v3;
	s6 =	sshrl.u32 s4, $0x1F;
	s4 =	smulhi.u32 $0x431BDE83, s14  }
0x192: {  	s11 =	sshra.s32 s3, $0x10;
	v4 =	vsel vm0, s6, v4;
	s6 =	smul.u32 $0x431BDE83, s13;
	s26 =	spop (v2sf)  }
0x193: {  	s2 =	sshra.s32 s3, $0x1F;
	s15 =	sshra.s32 s26, $0x1F;
	s26 =	smulhi.u32 $0x431BDE83, s26  }
0x194: {  	s13 =	smov.u32 s10;
	s10 =	sadd.s32 s21, s20;
	s29 =	smul.u32 $0x431BDE83, s15  }
.Ltmp2:
0x195: {  	s21 =	smov.u32 s25;
	s25 =	rddreg [dreg:$0xa];
	(pc) =	sbr.rel @p0 .LBB2_7-.Ltmp2, $4  }
0x196: {  	s14 =	sshra.s32 s0, $0x1F;
	s15 =	rddreg [dreg:$0x8];
	s12 =	spop (v2sf)  }
0x197: {  	s20 =	rddreg [dreg:$0x7];
	s15 =	sadd.s32 s7, s15;
	s24 =	smulhi.u32 $0x431BDE83, s12  }
0x198: {  	v5 =	vmov s9;
	s12 =	sshra.s32 s12, $0x1F;
	s3 =	sshra.s32 s15, $0x10;
	s16 =	spop (v2sf)  }
0x199: {  	v5 =	vsel vm3, s3, v5;
	s3 =	sshra.s32 s15, $0x1F;
	s9 =	smulhi.u32 $0x431BDE83, s16;
	s0 =	spop (v2sf)  }
0x19a: {  	s7 =	sadd.s32 s8, s17  }
0x19b: {  	v5 =	vsel vm9, s3, v5;
	s3 =	sadd.s32 s6, s28;
	s1 =	smul.u32 $0x431BDE83, s1;
	s15 =	sshrl.u32 s15, $0x1F  }
0x19c: {  	s6 =	sshra.s32 s16, $0x1F;
	s16 =	smul.u32 $0x431BDE83, s12;
	s17 =	sshra.s32 s0, $0x1F;
	v5 =	vsel vm0, s5, v5  }
0x19d: {  	v6 =	vmov s15;
	s5 =	sshrl.u32 s10, $0x1F;
	s12 =	smul.u32 $0x431BDE83, s17;
	s1 =	sadd.s32 s1, s4;
	v5 =	vsel vm10, s14, v5  }
0x19e: {  	s4 =	sadd.s32 s13, s23;
	v6 =	vnsel vm3, $0x0, v6;
	s23 =	sshrl.u32 s3, $0x1F;
	s3 =	sshra.s32 s3, $0x10;
	v5 =	vsel vm1, s25, v5  }
0x19f: {  	s18 =	sshrl.u32 s7, $0x1F;
	s6 =	smul.u32 $0x431BDE83, s6;
	s7 =	sshra.s32 s7, $0x10;
	v6 =	vsel vm0, s30, v6;
	v4 =	vsel vm1, s23, v4;
	v3 =	vsel vm1, s3, v3  }
0x1a0: {  	s8 =	sadd.s32 s16, s24;
	s14 =	sshrl.u32 s4, $0x1F;
	s25 =	smulhi.u32 $0x431BDE83, s0;
	v5 =	vsel vm11, s22, v5;
	v6 =	vsel vm1, s21, v6;
	v4 =	vsel vm2, s18, v4  }
0x1a1: {  	s15 =	sshra.s32 s4, $0x10;
	s18 =	sshrl.u32 s1, $0x1F;
	s1 =	sshra.s32 s1, $0x10;
	v3 =	vsel vm2, s7, v3;
	v5 =	vsel vm2, s11, v5;
	v6 =	vsel vm2, s31, v6  }
0x1a2: {  	s16 =	sshrl.u32 s8, $0x1F;
	s17 =	sshra.s32 s4, $0x1F;
	s23 =	sadd.s32 s29, s26;
	v7 =	vmov s18;
	v8 =	vmov s1;
	v5 =	vsel vm12, s2, v5  }
0x1a3: {  	s24 =	sadd.s32 s6, s9;
	s21 =	sshra.s32 s10, $0x10;
	s22 =	sshra.s32 s8, $0x10;
	v6 =	vsel vm4, s14, v6;
	v7 =	vsel vm0, s5, v7;
	v5 =	vsel vm4, s15, v5  }
0x1a4: {  	s4 =	sshra.s32 s23, $0x10;
	s0 =	sadd.s32 s12, s25;
	s25 =	sshrl.u32 s23, $0x1F;
	v8 =	vsel vm0, s21, v8;
	v6 =	vsel vm5, s16, v6;
	v5 =	vsel vm13, s17, v5  }
0x1a5: {  	s26 =	sshra.s32 s8, $0x1F;
	s6 =	sshrl.u32 s24, $0x1F;
	s2 =	sshra.s32 s24, $0x10;
	v7 =	vsel vm1, s25, v7;
	v8 =	vsel vm1, s4, v8;
	v5 =	vsel vm5, s22, v5  }
0x1a6: {  	s5 =	sshra.s32 s0, $0x10;
	s7 =	sshra.s32 s0, $0x1F;
	s0 =	sshrl.u32 s0, $0x1F;
	v7 =	vsel vm2, s6, v7;
	v8 =	vsel vm2, s2, v8;
	v5 =	vsel vm14, s26, v5  }
0x1a7: {  	s9 =	sshrl.u32 s19, $0x1F;
	v6 =	vsel vm6, s0, v6;
	v4 =	vcombine.low v7, v4;
	v5 =	vsel vm6, s5, v5  }
0x1a8: {  	s8 =	sshra.s32 s19, $0x10;
	v3 =	vcombine.low v8, v3;
	v6 =	vsel vm7, s9, v6;
	v5 =	vsel vm15, s7, v5  }
0x1a9: {  	v6 =	vperm.xlane v6, v1;
	v4 =	vperm.xlane v4, v0;
	v5 =	vsel vm7, s8, v5  }
0x1aa: {  	v3 =	vperm.xlane v3, v0;
	v5 =	vperm.xlane v5, v1;
	_ =	sdelay $0x1  }
0x1ab: {  	v4 =	vsel vm8, v6, v4;
	v3 =	vsel vm8, v5, v3  }
0x1ac: {  	v3 =	vadd.s32 v4, v3  }
0x1ad: {  	v3 =	vmul.u32 $0x3D090, v3;
	_ =	sdelay $0x1  }
0x1ae: {  	v2 =	vsub.s32 v2, v3  }
0x1af: {  	s10 =	simm.s32 $0x3;
	[tilespmem:s20+$0x0] =	vst v2  }
0x1b0: {  	_ =	swait.ge [sflag:s10], $0x8000  }
0x1b1: {  	s13 =	simm.s32 $0x80;
	s11 =	simm.s32 $0x0;
	[sflag:s10] =	ssyncset.done $0x0  }
0x1b2: {  	s14 =	simm.s32 $0x400;
	s12 =	rddreg [dreg:$0xd];
	[sflag:s10] =	ssyncadd.s32 $0xFFFF8000  }
0x1b3: {  	[tilespmem:s14], [sflag:$0x1] =	stream.indirect.gather [hbm4b:s12+s13], $0x40, s11, s13, $0xb8;
	[tilespmem:$0x10400] =	vst v63  }
0x1b4: {  	s15 =	simm.s32 $0x2400  }
0x1b5: {  	[tilespmem:s15], [sflag:$0x1] =	stream.indirect.gather [hbm4b:s12+s13], $0x40, s13, s13, $0xb8;
	[tilespmem:$0x10400] =	vst v63  }
0x1b6: {  	s19 =	simm.s32 $0x6400;
	s16 =	simm.s32 $0x100;
	s17 =	simm.s32 $0x4400  }
0x1b7: {  	[tilespmem:s17], [sflag:$0x1] =	stream.indirect.gather [hbm4b:s12+s13], $0x40, s16, s13, $0xb8;
	[tilespmem:$0x10400] =	vst v63  }
0x1b8: {  	s18 =	simm.s32 $0x180;
	s22 =	simm.s32 $0x2;
	s20 =	rddreg [dreg:$0x11]  }
0x1b9: {  	[tilespmem:s19], [sflag:$0x1] =	stream.indirect.gather [hbm4b:s12+s13], $0x40, s18, s13, $0xb8;
	[tilespmem:$0x10400] =	vst v63  }
0x1ba: {  	s21 =	rddreg [dreg:$0x18];
	_ =	swait.ge [sflag:s22], $0x8000  }
0x1bb: {  	s1 =	sadd.s32 s21, s20;
	[sflag:s22] =	ssyncset.done $0x0  }
0x1bc: {  	s1 =	sshll.u32 s1, $0x3;
	[sflag:s22] =	ssyncadd.s32 $0xFFFF8000  }
0x1bd: {  	s1 =	sand.u32 $0x1FFFF000, s1;
	s2 =	rddreg [dreg:$0x1]  }
0x1be: {  	s23 =	simm.s32 $0x8400;
	s24 =	rddreg [dreg:$0x12];
	s1 =	sadd.s32 s2, s1  }
0x1bf: {  	[hbm4b:s1+s11] =	stream.linear.scatter [tilespmem:s23], [sflag:$0x4], $0x8000, $0x38;
	[tilespmem:$0x10400] =	vst v63  }
0x1c0: {  	s1 =	sadd.s32 s21, s24  }
0x1c1: {  	s25 =	rddreg [dreg:$0xb];
	s1 =	sshrl.u32 s1, $0x3  }
0x1c2: {  	s3 =	simm.s32 $0x5;
	s26 =	simm.s32 $0x200;
	s1 =	sadd.s32 s25, s1  }
0x1c3: {  	[tilespmem:s26], [sflag:$0x5] =	stream.linear.gather [hbm4b:s1+s11], $0x200, $0x38;
	[tilespmem:$0x10400] =	vst v63  }
0x1c4: {  	_ =	swait.ge [sflag:s3], $0x200  }
0x1c5: {  	[sflag:s3] =	ssyncset.done $0x0  }
0x1c6: {  	s19 =	simm.s32 $0x0;
	[sflag:s3] =	ssyncadd.s32 $0xFFFFFE00  }
0x1c7: {  	v2 =	vld [tilespmem:s19+$0x200];
	_ =	sdelay $0x4  }
0x1c8: {  	(v2sf) =	vpush v2, $0x0  }
0x1c9: {  	(v2sf) =	vpush v2, $0x1;
	_ =	sdelay $0x1  }
0x1ca: {  	(v2sf) =	vpush v2, $0x2;
	_ =	sdelay $0x1  }
0x1cb: {  	(v2sf) =	vpush v2, $0x7;
	_ =	sdelay $0x2  }
0x1cc: {  	(v2sf) =	vpush v2, $0x3  }
0x1cd: {  	(v2sf) =	vpush v2, $0x4;
	_ =	sdelay $0x1  }
0x1ce: {  	(v2sf) =	vpush v2, $0xC;
	_ =	sdelay $0x1  }
0x1cf: {  	(v2sf) =	vpush v2, $0xD;
	_ =	sdelay $0x1  }
0x1d0: {  	(v2sf) =	vpush v2, $0xE;
	s4 =	spop (v2sf)  }
0x1d1: {  	s29 =	smulhi.u32 $0x431BDE83, s4;
	s5 =	spop (v2sf)  }
0x1d2: {  	s1 =	sshra.s32 s4, $0x1F;
	s6 =	smulhi.u32 $0x431BDE83, s5  }
0x1d3: {  	(v2sf) =	vpush v2, $0x8;
	s11 =	spop (v2sf);
	s1 =	smul.u32 $0x431BDE83, s1  }
0x1d4: {  	s2 =	sshra.s32 s5, $0x1F;
	s12 =	smulhi.u32 $0x431BDE83, s11  }
0x1d5: {  	(v2sf) =	vpush v2, $0xF;
	s14 =	spop (v2sf);
	s2 =	smul.u32 $0x431BDE83, s2  }
0x1d6: {  	s5 =	sshra.s32 s11, $0x1F;
	s8 =	smulhi.u32 $0x431BDE83, s14  }
0x1d7: {  	s7 =	sshra.s32 s14, $0x1F;
	s5 =	smul.u32 $0x431BDE83, s5  }
0x1d8: {  	(v2sf) =	vpush v2, $0x9;
	s15 =	spop (v2sf);
	s18 =	smul.u32 $0x431BDE83, s7  }
0x1d9: {  	s10 =	spop (v2sf);
	s13 =	smulhi.u32 $0x431BDE83, s15;
	s9 =	sshra.s32 s15, $0x1F  }
0x1da: {  	(v2sf) =	vpush v2, $0xA;
	s16 =	sshra.s32 s10, $0x1F;
	s9 =	smul.u32 $0x431BDE83, s9  }
0x1db: {  	s17 =	spop (v2sf);
	s21 =	smul.u32 $0x431BDE83, s16  }
0x1dc: {  	(v2sf) =	vpush v2, $0x5;
	s5 =	sadd.s32 s5, s12;
	s12 =	smulhi.u32 $0x431BDE83, s17  }
0x1dd: {  	(v2sf) =	vpush v2, $0xB;
	s22 =	spop (v2sf);
	s23 =	sshra.s32 s17, $0x1F;
	s17 =	smulhi.u32 $0x431BDE83, s10  }
0x1de: {  	s16 =	sadd.s32 s2, s6;
	s20 =	sshrl.u32 s5, $0x1F;
	s15 =	smulhi.u32 $0x431BDE83, s22  }
0x1df: {  	s18 =	sadd.s32 s18, s8;
	s24 =	spop (v2sf);
	s26 =	smul.u32 $0x431BDE83, s23  }
0x1e0: {  	(v2sf) =	vpush v2, $0x6;
	s0 =	sshra.s32 s22, $0x1F;
	s22 =	sshra.s32 s5, $0x10;
	s13 =	sadd.s32 s9, s13  }
0x1e1: {  	s8 =	sshra.s32 s16, $0x1F;
	[dreg:$0x6] =	wrdreg s21;
	s25 =	smulhi.u32 $0x431BDE83, s24  }
0x1e2: {  	s21 =	sshra.s32 s5, $0x1F;
	s5 =	spop (v2sf);
	s23 =	sshra.s32 s24, $0x1F  }
0x1e3: {  	s6 =	smul.u32 $0x431BDE83, s0;
	s30 =	sshrl.u32 s13, $0x1F;
	s9 =	sshra.s32 s13, $0x10  }
0x1e4: {  	s2 =	sshra.s32 s13, $0x1F;
	s13 =	simm.s32 $0x40;
	s3 =	spop (v2sf)  }
0x1e5: {  	s12 =	sadd.s32 s26, s12;
	s14 =	sshra.s32 s3, $0x1F;
	s11 =	smulhi.u32 $0x431BDE83, s3  }
0x1e6: {  	s0 =	sshrl.u32 s12, $0x1F;
	s6 =	sadd.s32 s6, s15;
	s15 =	sshra.s32 s12, $0x10  }
0x1e7: {  	s12 =	sadd.s32 s1, s29;
	s31 =	smul.u32 $0x431BDE83, s14;
	s7 =	spop (v2sf)  }
0x1e8: {  	s1 =	sshra.s32 s5, $0x1F;
	s26 =	sshra.s32 s7, $0x1F;
	s24 =	smulhi.u32 $0x431BDE83, s7  }
0x1e9: {  	s3 =	spop (v2sf);
	s7 =	sshra.s32 s6, $0x10;
	s4 =	smul.u32 $0x431BDE83, s26  }
0x1ea: {  	s6 =	sshrl.u32 s6, $0x1F;
	s14 =	sshra.s32 s3, $0x1F;
	s26 =	smulhi.u32 $0x431BDE83, s3  }
0x1eb: {  	s28 =	spop (v2sf);
	s3 =	sshra.s32 s18, $0x1F;
	s10 =	smul.u32 $0x431BDE83, s14  }
0x1ec: {  	v3 =	vmov s15;
	s14 =	smulhi.u32 $0x431BDE83, s5;
	s5 =	sshra.s32 s16, $0x10;
	s15 =	spop (v2sf)  }
0x1ed: {  	s29 =	sadd.s32 s4, s24;
	s24 =	smulhi.u32 $0x431BDE83, s28;
	s4 =	sshra.s32 s28, $0x1F  }
0x1ee: {  	v4 =	vmov s0;
	v5 =	vmov s3;
	s28 =	sshrl.u32 s16, $0x1F;
	s16 =	smul.u32 $0x431BDE83, s23;
	s23 =	sshra.s32 s12, $0x10  }
0x1ef: {  	v3 =	vsel vm0, s7, v3;
	v4 =	vsel vm0, s6, v4;
	s6 =	sshra.s32 s12, $0x1F;
	s0 =	spop (v2sf);
	v5 =	vsel vm3, s23, v5;
	s23 =	smulhi.u32 $0x431BDE83, s15  }
.LBB2_9:
0x1f0: {  	s7 =	sshrl.u32 s29, $0x1F;
	s1 =	smul.u32 $0x431BDE83, s1  }
0x1f1: {  	s15 =	sshra.s32 s15, $0x1F;
	v5 =	vsel vm9, s6, v5;
	s6 =	sadd.s32 s31, s11;
	s3 =	sshrl.u32 s12, $0x1F  }
0x1f2: {  	s4 =	smul.u32 $0x431BDE83, s4;
	v5 =	vsel vm0, s5, v5;
	s5 =	sadd.s32 s16, s25;
	v6 =	vmov s3;
	s3 =	rddreg [dreg:$0x6]  }
0x1f3: {  	s12 =	sshrl.u32 s6, $0x1F;
	s10 =	sadd.s32 s10, s26;
	s6 =	sshra.s32 s6, $0x10;
	v5 =	vsel vm10, s8, v5  }
0x1f4: {  	s1 =	sadd.s32 s1, s14;
	v6 =	vnsel vm3, $0x0, v6;
	s16 =	sshrl.u32 s5, $0x1F;
	s5 =	sshra.s32 s5, $0x10;
	v5 =	vsel vm1, s22, v5  }
0x1f5: {  	s11 =	sadd.s32 s3, s17;
	s3 =	sshra.s32 s0, $0x1F;
	s4 =	sadd.s32 s4, s24;
	v6 =	vsel vm0, s28, v6;
	v4 =	vsel vm1, s16, v4;
	v3 =	vsel vm1, s5, v3  }
0x1f6: {  	s14 =	smul.u32 $0x431BDE83, s3;
	s24 =	sshrl.u32 s1, $0x1F;
	s1 =	sshra.s32 s1, $0x10;
	v5 =	vsel vm11, s21, v5;
	v6 =	vsel vm1, s20, v6;
	v4 =	vsel vm2, s12, v4  }
0x1f7: {  	s25 =	sshrl.u32 s11, $0x1F;
	s16 =	smulhi.u32 $0x431BDE83, s0;
	s17 =	sshra.s32 s11, $0x10;
	v7 =	vmov s24;
	v8 =	vmov s1;
	v5 =	vsel vm2, s9, v5  }
0x1f8: {  	s22 =	sshra.s32 s11, $0x1F;
	s3 =	sshra.s32 s4, $0x10;
	s20 =	smul.u32 $0x431BDE83, s15;
	v3 =	vsel vm2, s6, v3;
	v6 =	vsel vm2, s30, v6;
	v5 =	vsel vm12, s2, v5  }
0x1f9: {  	s21 =	sshrl.u32 s4, $0x1F;
	v7 =	vsel vm0, s7, v7;
	s0 =	sadd.s32 s14, s16;
	s16 =	sshrl.u32 s10, $0x1F;
	v6 =	vsel vm4, s25, v6;
	v5 =	vsel vm4, s17, v5  }
0x1fa: {  	s25 =	sshra.s32 s29, $0x10;
	s12 =	sadd.s32 s20, s23;
	v7 =	vsel vm1, s16, v7;
	s20 =	sshrl.u32 s0, $0x1F;
	v6 =	vsel vm5, s21, v6;
	v5 =	vsel vm13, s22, v5  }
0x1fb: {  	s4 =	sshra.s32 s4, $0x1F;
	v8 =	vsel vm0, s25, v8;
	s21 =	sshra.s32 s10, $0x10;
	s2 =	sshrl.u32 s12, $0x1F;
	v6 =	vsel vm6, s20, v6;
	v5 =	vsel vm5, s3, v5  }
0x1fc: {  	s17 =	sshra.s32 s12, $0x10;
	s22 =	sshra.s32 s0, $0x10;
	v8 =	vsel vm1, s21, v8;
	v7 =	vsel vm2, s2, v7;
	v5 =	vsel vm14, s4, v5  }
0x1fd: {  	s23 =	sshrl.u32 s18, $0x1F;
	s0 =	sshra.s32 s0, $0x1F;
	v8 =	vsel vm2, s17, v8;
	v4 =	vcombine.low v7, v4;
	v5 =	vsel vm6, s22, v5  }
0x1fe: {  	s24 =	sshra.s32 s18, $0x10;
	v6 =	vsel vm7, s23, v6;
	v3 =	vcombine.low v8, v3;
	v5 =	vsel vm15, s0, v5  }
0x1ff: {  	v6 =	vperm.xlane v6, v1;
	v4 =	vperm.xlane v4, v0;
	v5 =	vsel vm7, s24, v5  }
0x200: {  	v3 =	vperm.xlane v3, v0;
	v5 =	vperm.xlane v5, v1;
	_ =	sdelay $0x1  }
0x201: {  	v4 =	vsel vm8, v6, v4;
	v3 =	vsel vm8, v5, v3  }
0x202: {  	v3 =	vadd.s32 v4, v3  }
0x203: {  	v3 =	vmul.u32 $0x3D090, v3;
	_ =	sdelay $0x1  }
0x204: {  	s25 =	smov.u32 s13;
	v2 =	vsub.s32 v2, v3  }
0x205: {  	s23 =	sshra.s32 s25, $0x2;
	[tilespmem:s19+$0x200] =	vst v2  }
0x206: {  	v2 =	vld [tilespmem:s23+$0x200];
	_ =	sdelay $0x4  }
0x207: {  	(v2sf) =	vpush v2, $0x0  }
0x208: {  	(v2sf) =	vpush v2, $0x1  }
0x209: {  	(v2sf) =	vpush v2, $0x2;
	_ =	sdelay $0x1  }
0x20a: {  	(v2sf) =	vpush v2, $0x7  }
0x20b: {  	(v2sf) =	vpush v2, $0x3;
	_ =	sdelay $0x1  }
0x20c: {  	(v2sf) =	vpush v2, $0x4  }
0x20d: {  	(v2sf) =	vpush v2, $0xC;
	_ =	sdelay $0x1  }
0x20e: {  	(v2sf) =	vpush v2, $0xD;
	_ =	sdelay $0x2  }
0x20f: {  	(v2sf) =	vpush v2, $0xE;
	_ =	sdelay $0x1  }
0x210: {  	(v2sf) =	vpush v2, $0x8;
	s26 =	spop (v2sf)  }
0x211: {  	p0 =	sne.s32 s13, $0x7C0;
	s2 =	smulhi.u32 $0x431BDE83, s26;
	s3 =	spop (v2sf)  }
0x212: {  	s13 =	sadd.s32 $0x40, s13;
	(v2sf) =	vpush v2, $0xF;
	s4 =	smulhi.u32 $0x431BDE83, s3;
	s6 =	spop (v2sf)  }
0x213: {  	s0 =	sshra.s32 s3, $0x1F;
	[dreg:$0x9] =	wrdreg s2;
	s7 =	smulhi.u32 $0x431BDE83, s6  }
0x214: {  	(v2sf) =	vpush v2, $0x9;
	s10 =	sshra.s32 s26, $0x1F;
	s12 =	spop (v2sf);
	s0 =	smul.u32 $0x431BDE83, s0  }
0x215: {  	s2 =	sshra.s32 s6, $0x1F;
	s18 =	smulhi.u32 $0x431BDE83, s12;
	s14 =	spop (v2sf)  }
0x216: {  	s5 =	sshra.s32 s12, $0x1F;
	s17 =	smul.u32 $0x431BDE83, s2;
	s15 =	sshra.s32 s14, $0x1F  }
0x217: {  	(v2sf) =	vpush v2, $0xA;
	s9 =	spop (v2sf);
	s8 =	smul.u32 $0x431BDE83, s5;
	s0 =	sadd.s32 s0, s4  }
0x218: {  	s4 =	smulhi.u32 $0x431BDE83, s14;
	s16 =	sshra.s32 s9, $0x1F;
	s19 =	spop (v2sf)  }
0x219: {  	s5 =	sshra.s32 s0, $0x10;
	s1 =	sadd.s32 s17, s7;
	s7 =	smul.u32 $0x431BDE83, s15  }
0x21a: {  	s28 =	sshrl.u32 s0, $0x1F;
	s22 =	smul.u32 $0x431BDE83, s16;
	s24 =	spop (v2sf)  }
0x21b: {  	(v2sf) =	vpush v2, $0x5;
	s25 =	sshra.s32 s19, $0x1F;
	s20 =	sshrl.u32 s1, $0x1F;
	s2 =	smulhi.u32 $0x431BDE83, s19  }
0x21c: {  	s21 =	sshra.s32 s1, $0x1F;
	s18 =	sadd.s32 s8, s18;
	s6 =	smulhi.u32 $0x431BDE83, s24  }
0x21d: {  	(v2sf) =	vpush v2, $0xB;
	s8 =	sshra.s32 s0, $0x1F;
	s26 =	spop (v2sf);
	s12 =	smul.u32 $0x431BDE83, s25  }
0x21e: {  	s11 =	sshra.s32 s24, $0x1F;
	(v2sf) =	vpush v2, $0x6;
	[dreg:$0x6] =	wrdreg s22;
	s25 =	smulhi.u32 $0x431BDE83, s26  }
0x21f: {  	s22 =	sshra.s32 s1, $0x10;
	s14 =	spop (v2sf);
	s17 =	smul.u32 $0x431BDE83, s11  }
0x220: {  	s16 =	sshra.s32 s26, $0x1F;
	s1 =	sshra.s32 s14, $0x1F;
	s14 =	smulhi.u32 $0x431BDE83, s14  }
0x221: {  	s7 =	sadd.s32 s7, s4;
	s3 =	spop (v2sf);
	s16 =	smul.u32 $0x431BDE83, s16  }
0x222: {  	s30 =	sshrl.u32 s7, $0x1F;
	s2 =	sadd.s32 s12, s2;
	s11 =	smulhi.u32 $0x431BDE83, s3  }
0x223: {  	s26 =	spop (v2sf);
	s6 =	sadd.s32 s17, s6;
	s17 =	smulhi.u32 $0x431BDE83, s9  }
0x224: {  	s24 =	sshra.s32 s3, $0x1F;
	s3 =	sshrl.u32 s2, $0x1F;
	s29 =	smulhi.u32 $0x431BDE83, s26  }
0x225: {  	s2 =	sshra.s32 s2, $0x10;
	s19 =	sshra.s32 s26, $0x1F;
	s31 =	smul.u32 $0x431BDE83, s24  }
0x226: {  	v4 =	vmov s3;
	s15 =	sshra.s32 s6, $0x10;
	v3 =	vmov s2;
	s3 =	smul.u32 $0x431BDE83, s19;
	s26 =	spop (v2sf)  }
0x227: {  	v3 =	vsel vm0, s15, v3;
	s15 =	sshrl.u32 s6, $0x1F;
	s6 =	smul.u32 $0x431BDE83, s10;
	s19 =	sshra.s32 s26, $0x1F  }
0x228: {  	s9 =	sshra.s32 s7, $0x10;
	s2 =	sshra.s32 s7, $0x1F;
	s10 =	smul.u32 $0x431BDE83, s19  }
.Ltmp3:
0x229: {  	s7 =	sshra.s32 s18, $0x1F;
	s29 =	sadd.s32 s3, s29;
	(pc) =	sbr.rel @p0 .LBB2_9-.Ltmp3, $4  }
0x22a: {  	s19 =	smov.u32 s23;
	s23 =	rddreg [dreg:$0x9];
	s12 =	spop (v2sf)  }
0x22b: {  	s24 =	smulhi.u32 $0x431BDE83, s12;
	s4 =	sshra.s32 s12, $0x1F;
	s12 =	sadd.s32 s6, s23  }
0x22c: {  	v5 =	vmov s7;
	v4 =	vsel vm0, s15, v4;
	s26 =	smulhi.u32 $0x431BDE83, s26;
	s6 =	sshra.s32 s12, $0x10;
	s15 =	spop (v2sf)  }
0x22d: {  	v5 =	vsel vm3, s6, v5;
	s6 =	sshra.s32 s12, $0x1F;
	s23 =	smulhi.u32 $0x431BDE83, s15;
	s0 =	spop (v2sf)  }
0x22e: {  	s1 =	smul.u32 $0x431BDE83, s1;
	s3 =	sadd.s32 s31, s11  }
0x22f: {  	s13 =	sadd.s32 s16, s25;
	s7 =	sshrl.u32 s12, $0x1F;
	s16 =	rddreg [dreg:$0x6]  }
0x230: {  	v5 =	vsel vm9, s6, v5;
	s4 =	smul.u32 $0x431BDE83, s4;
	s10 =	sadd.s32 s10, s26;
	v6 =	vmov s7;
	s7 =	sadd.s32 s16, s17  }
0x231: {  	v5 =	vsel vm0, s5, v5;
	s17 =	sshra.s32 s15, $0x1F;
	s11 =	sshrl.u32 s3, $0x1F;
	s6 =	sshra.s32 s13, $0x10  }
0x232: {  	s3 =	sshra.s32 s3, $0x10;
	s12 =	sshra.s32 s10, $0x10;
	s1 =	sadd.s32 s1, s14;
	v5 =	vsel vm10, s8, v5;
	v6 =	vnsel vm3, $0x0, v6;
	v3 =	vsel vm1, s6, v3  }
0x233: {  	s14 =	sshra.s32 s0, $0x1F;
	s4 =	sadd.s32 s4, s24;
	v5 =	vsel vm1, s22, v5;
	v6 =	vsel vm0, s28, v6;
	s22 =	sshrl.u32 s13, $0x1F;
	v3 =	vsel vm2, s3, v3  }
0x234: {  	s8 =	smul.u32 $0x431BDE83, s17;
	s28 =	sshrl.u32 s1, $0x1F;
	s1 =	sshra.s32 s1, $0x10;
	v5 =	vsel vm11, s21, v5;
	v6 =	vsel vm1, s20, v6;
	v4 =	vsel vm1, s22, v4  }
0x235: {  	s24 =	smulhi.u32 $0x431BDE83, s0;
	s25 =	sshrl.u32 s7, $0x1F;
	s26 =	sshra.s32 s7, $0x10;
	v7 =	vmov s28;
	v8 =	vmov s1;
	v5 =	vsel vm2, s9, v5  }
0x236: {  	s31 =	sshra.s32 s7, $0x1F;
	s7 =	sshra.s32 s29, $0x10;
	s5 =	smul.u32 $0x431BDE83, s14;
	v6 =	vsel vm2, s30, v6;
	v4 =	vsel vm2, s11, v4;
	v5 =	vsel vm12, s2, v5  }
0x237: {  	s6 =	sshra.s32 s4, $0x10;
	s8 =	sadd.s32 s8, s23;
	s30 =	sshrl.u32 s29, $0x1F;
	v8 =	vsel vm0, s7, v8;
	v6 =	vsel vm4, s25, v6;
	v5 =	vsel vm4, s26, v5  }
0x238: {  	s0 =	sadd.s32 s5, s24;
	s5 =	sshrl.u32 s4, $0x1F;
	s9 =	sshrl.u32 s10, $0x1F;
	v7 =	vsel vm0, s30, v7;
	v8 =	vsel vm1, s12, v8;
	v5 =	vsel vm13, s31, v5  }
0x239: {  	s11 =	sshra.s32 s4, $0x1F;
	s14 =	sshrl.u32 s8, $0x1F;
	s15 =	sshra.s32 s8, $0x10;
	v6 =	vsel vm5, s5, v6;
	v7 =	vsel vm1, s9, v7;
	v5 =	vsel vm5, s6, v5  }
0x23a: {  	s13 =	sshra.s32 s0, $0x10;
	s16 =	sshra.s32 s0, $0x1F;
	s0 =	sshrl.u32 s0, $0x1F;
	v8 =	vsel vm2, s15, v8;
	v7 =	vsel vm2, s14, v7;
	v5 =	vsel vm14, s11, v5  }
0x23b: {  	s17 =	sshra.s32 s18, $0x10;
	s18 =	sshrl.u32 s18, $0x1F;
	v6 =	vsel vm6, s0, v6;
	v3 =	vcombine.low v8, v3;
	v5 =	vsel vm6, s13, v5  }
0x23c: {  	v4 =	vcombine.low v7, v4;
	v6 =	vsel vm7, s18, v6;
	v5 =	vsel vm15, s16, v5  }
0x23d: {  	v3 =	vperm.xlane v3, v0;
	v6 =	vperm.xlane v6, v1;
	v5 =	vsel vm7, s17, v5  }
0x23e: {  	v4 =	vperm.xlane v4, v0;
	v5 =	vperm.xlane v5, v1;
	_ =	sdelay $0x1  }
0x23f: {  	v4 =	vsel vm8, v6, v4;
	v3 =	vsel vm8, v5, v3  }
0x240: {  	v3 =	vadd.s32 v4, v3  }
0x241: {  	v3 =	vmul.u32 $0x3D090, v3;
	_ =	sdelay $0x1  }
0x242: {  	v2 =	vsub.s32 v2, v3  }
0x243: {  	[tilespmem:s19+$0x200] =	vst v2;
	s19 =	simm.s32 $0x4  }
0x244: {  	s21 =	simm.s32 $0x80;
	s22 =	simm.s32 $0x200;
	_ =	swait.ge [sflag:s19], $0x8000  }
0x245: {  	s23 =	simm.s32 $0x8400;
	[sflag:s19] =	ssyncset.done $0x0;
	s31 =	rddreg [dreg:$0x17]  }
0x246: {  	s20 =	rddreg [dreg:$0xd];
	[sflag:s19] =	ssyncadd.s32 $0xFFFF8000;
	s3 =	sadd.s32 $0x1, s31  }
0x247: {  	[tilespmem:s23], [sflag:$0x2] =	stream.indirect.gather [hbm4b:s20+s21], $0x40, s22, s21, $0xb8;
	[tilespmem:$0x10400] =	vst v63  }
0x248: {  	s24 =	simm.s32 $0x280;
	s25 =	simm.s32 $0xA400;
	p0 =	sne.s32 s3, $0x31  }
0x249: {  	[tilespmem:s25], [sflag:$0x2] =	stream.indirect.gather [hbm4b:s20+s21], $0x40, s24, s21, $0xb8;
	[tilespmem:$0x10400] =	vst v63  }
.Ltmp4:
0x24a: {  	_ = 	snop;
	(pc) =	sbr.rel @p0 .LBB2_6-.Ltmp4, $4  }
0x24b: {  	s28 =	simm.s32 $0xC400;
	s26 =	simm.s32 $0x300  }
0x24c: {  	[tilespmem:s28], [sflag:$0x2] =	stream.indirect.gather [hbm4b:s20+s21], $0x40, s26, s21, $0xb8;
	[tilespmem:$0x10400] =	vst v63  }
0x24d: {  	s29 =	simm.s32 $0x380;
	s30 =	simm.s32 $0xE400  }
0x24e: {  	[tilespmem:s30], [sflag:$0x2] =	stream.indirect.gather [hbm4b:s20+s21], $0x40, s29, s21, $0xb8;
	[tilespmem:$0x10400] =	vst v63  }
0x24f: {  	s0 =	simm.s32 $0x1  }
0x250: {  	_ =	swait.ge [sflag:s0], $0x8000  }
0x251: {  	s7 =	simm.s32 $0x0;
	s1 =	simm.s32 $0x400;
	[sflag:s0] =	ssyncset.done $0x0  }
0x252: {  	s25 =	simm.s32 $0x2;
	s24 =	rddreg [dreg:$0x13];
	[sflag:s0] =	ssyncadd.s32 $0xFFFF8000  }
0x253: {  	[hbm4b:s24+s7] =	stream.linear.scatter [tilespmem:s1], [sflag:$0x3], $0x8000, $0x38;
	[tilespmem:$0x10400] =	vst v63  }
0x254: {  	_ =	swait.ge [sflag:s25], $0x8000  }
0x255: {  	s28 =	simm.s32 $0x8400;
	[sflag:s25] =	ssyncset.done $0x0  }
0x256: {  	s29 =	simm.s32 $0x3;
	s26 =	rddreg [dreg:$0x14];
	[sflag:s25] =	ssyncadd.s32 $0xFFFF8000  }
0x257: {  	[hbm4b:s26+s7] =	stream.linear.scatter [tilespmem:s28], [sflag:$0x4], $0x8000, $0x38;
	[tilespmem:$0x10400] =	vst v63  }
0x258: {  	_ =	swait.ge [sflag:s29], $0x8000  }
0x259: {  	[sflag:s29] =	ssyncset.done $0x0  }
0x25a: {  	s30 =	simm.s32 $0x4;
	[sflag:s29] =	ssyncadd.s32 $0xFFFF8000  }
0x25b: {  	_ =	swait.ge [sflag:s30], $0x8000  }
0x25c: {  	s2 =	rddreg [dreg:$0x16]  }
0x25d: {  	s31 =	rddreg [dreg:$0x15];
	s2 =	sadd.s32 $0x1, s2  }
0x25e: {  	p0 =	sne.s32 s2, s31  }
.Ltmp5:
0x25f: {  	_ = 	snop;
	(pc) =	sbr.rel @p0 .LBB2_1-.Ltmp5, $3  }
0x260: {  	_ =	sdelay $0x1  }
0x261: {  	[sflag:s30] =	ssyncset.done $0x0  }
0x262: {  	[sflag:s30] =	ssyncadd.s32 $0xFFFF8000  }
0x263: {  	_ =	sfence.sel $0x180000  }
0x264: {  	[bflag:$0x0] =	sbarrier.arrive $0xFFFF  }
0x265: {  	_ =	strace $0x90000047  }
0x266: {  	s0 =	stileid.u32;
	[bflag:$0x2] =	sbarrier.arrive $0xFFFF  }
0x267: {  	p0 =	sne.s32 s0, $0x0;
	s0 =	rddreg [dreg:$0x2]  }
0x268: {  	s0 =	sadd.s32 @!p0 $0x100000, s0  }
0x269: {  	[sflag:s0] =	ssyncadd.tile.s32 @!p0 $0x1;
	_ =	shalt  }
.Lfunc_end2:
_tile_overlayer_lowered:
.L_overlay_start_2:
0x26a: {  	(tag) =	ssettag $0x2  }
0x26b: {  	s0 =	rddreg [dreg:$0x0];
	s2 =	stileid.u32  }
0x26c: {  	s1 =	rddreg [dreg:$0x1];
	p0 =	sne.s32 s2, $0x0  }
0x26d: {  	s3 =	rddreg [dreg:$0x2];
	[bflag:$0x3] =	sbarrier.arrive $0xFFFF;
	s2 =	simm.s32 @!p0 $0x1C05  }
0x26e: {  	[timem:s3], [sflag:s2] =	dma.local @!p0 [hbm:s0], s1  }
0x26f: {  	s0 =	simm.s32 @!p0 $0x5  }
0x270: {  	_ =	swait.ge @!p0 [sflag:s0], s1  }
0x271: {  	s1 =	ssub.s32 @!p0 $0x0, s1;
	[sflag:s0] =	ssyncset.done @!p0 $0x0  }
0x272: {  	[sflag:s0] =	ssyncadd.s32 @!p0 s1  }
0x273: {  	[bflag:$0x3] =	sbarrier.arrive $0xFFFF  }
0x274: {  	_ =	shalt  }

// kernel: sparse-core-data-format-call.cloned.1.call-start
scs
called_computation_lowered:
.L_overlay_start_0:
0x0: {  	s2 =	sld [smem:$0x3FD9]  }
0x1: {  	s3 =	sld [smem:$0x3FFE];
	_ =	sdelay $0x1  }
0x2: {  	s1 =	srdreg.scid  }
0x3: {  	s0 =	sand.u32 $0x1, s1  }
0x4: {  	s18 =	sshll.u32 s0, $0xA;
	s2 =	sadd.s32 s3, s2  }
0x5: {  	s2 =	sadd.s32 s2, s18  }
0x6: {  	[smem:$0x3FC6] =	sst s2  }
0x7: {  	_ = 	snop  }
0x8: {  	s2 =	sld [smem:$0x3FD0];
	(tm) =	ssettm $0x1  }
0x9: {  	s19 =	sld [smem:$0x3FFB];
	_ =	sdelay $0x3  }
0xa: {  	_ =	strace s19  }
0xb: {  	s3 =	sld [smem:$0x3FFC];
	_ =	sdelay $0x3  }
0xc: {  	_ =	strace s3  }
0xd: {  	s3 =	sld [smem:$0x3FFD];
	_ =	sdelay $0x3  }
0xe: {  	_ =	strace s3  }
0xf: {  	_ =	strace $0x8FFFFFFF  }
0x10: {  	s20 =	sld [smem:$0x3FDB];
	_ =	sdelay $0x1  }
0x11: {  	s4 =	simm.s32 $_scs_section_size  }
0x12: {  	s5 =	simm.s32 $_size__tile_overlayer_lowered;
	s6 =	simm.s32 $_tile_overlayer_lowered  }
0x13: {  	s23 =	simm.s32 $0x1BFF;
	s22 =	sshll.u32 s6, $0x1;
	s3 =	sadd.s32 s4, s20  }
0x14: {  	s7 =	simm.s32 $0x0;
	s21 =	sshll.u32 s5, $0x1;
	s5 =	sadd.s32 s22, s3  }
0x15: {  	[timem:s7], [sflag:s23] =	dma.local [hbm:s5], s21  }
0x16: {  	_ =	swait.ge [sflag:s23], s21  }
0x17: {  	s4 =	ssub.s32 $0x0, s21;
	[sflag:s23] =	ssyncset.done $0x0  }
0x18: {  	[sflag:s23] =	ssyncadd.s32 s4;
	_ =	sdelay $0x1  }
0x19: {  	s24 =	simm.s32 $0x1B8B  }
0x1a: {  	_ =	swait.ge [sflag:s24], $0x1  }
0x1b: {  	[sflag:s24] =	ssyncset.done $0x0  }
0x1c: {  	s26 =	simm.s32 $0x1B8E;
	s25 =	sld [smem:$0x3FFE];
	[sflag:s24] =	ssyncadd.s32 $0xFFFFFFFF  }
0x1d: {  	s27 =	simm.s32 $execute0_lowered;
	[smem:$0x3FD2] =	sst s26  }
0x1e: {  	s5 =	sshll.u32 s27, $0x1;
	_ =	strace $0x80000049;
	[dreg:$0x1] =	wrdreg $0xFFFFFFFF  }
0x1f: {  	s28 =	simm.s32 $_size_execute0_lowered;
	s3 =	sadd.s32 s3, s5;
	[dreg:$0x0] =	wrdreg $0x0  }
0x20: {  	s5 =	sshll.u32 s28, $0x1;
	[dreg:$0x2] =	wrdreg s3  }
0x21: {  	[dreg:$0x3] =	wrdreg s5  }
0x22: {  	[dreg:$0x4] =	wrdreg $0xC0  }
0x23: {  	_ =	task [dreg:s7], $0x5FFFF  }
0x24: {  	[dreg:$0x1] =	wrdreg $0xFFFFFFFF  }
0x25: {  	[dreg:$0x0] =	wrdreg $0x60  }
0x26: {  	[dreg:$0x2] =	wrdreg s25  }
0x27: {  	[dreg:$0x3] =	wrdreg s2  }
0x28: {  	[dreg:$0x4] =	wrdreg $0x9  }
0x29: {  	_ =	task.clear_ibuf [dreg:s7], $0x5FFFF;
	_ =	strace $0x90000049  }
0x2a: {  	s29 =	simm.s32 $0x9;
	_ =	strace $0x8000004B  }
0x2b: {  	_ =	swait.ge [sflag:s29], $0x1  }
0x2c: {  	[sflag:s29] =	ssyncadd.s32 $0xFFFFFFFF  }
0x2d: {  	_ =	strace $0x9000004B  }
0x2e: {  	_ =	sfence  }
0x2f: {  	s30 =	sld [smem:$0x0];
	_ =	sdelay $0x2  }
0x30: {  	s31 =	sshll.u32 s1, $0xD;
	s1 =	sshrl.u32 s1, $0x2  }
0x31: {  	s3 =	sand.u32 $0x4000, s31;
	s1 =	sadd.s32 s1, s30  }
0x32: {  	s0 =	sor.u32 s3, s0;
	s1 =	sshll.u32 s1, $0x11  }
0x33: {  	s0 =	sor.u32 s1, s0  }
0x34: {  	s0 =	sadd.s32 $0x8F2B, s0  }
0x35: {  	[sflag:s0] =	ssyncadd.remote.s32 $0x1  }
0x36: {  	_ =	sfence.sel $0xFFFF  }
0x37: {  	[dreg:$0x0] =	wrdreg $0xFFFFFFFF;
	(pc) =	sbr.abs _section_cstart, $3  }
0x38: {  	[dreg:$0x1] =	wrdreg $0xFFFFFFFF  }
0x39: {  	_ =	task.clear_ibuf [dreg:s7], $0x2FFFF;
	_ =	strace $0x9FFFFFFF  }
0x3a: {  	(tm) =	ssettm $0x7FFFFFFF  }
0x3b: {  	_ =	shalt  }
tec
execute0_lowered:
.L_overlay_start_1:
0x0: {  	(tag) =	ssettag $0x1  }
0x1: {  	s0 =	srdreg.scid  }
0x2: {  	s1 =	sshll.u32 s0, $0x4  }
0x3: {  	s0 =	stileid.u32;
	s1 =	sand.u32 $0x10, s1  }
0x4: {  	s1 =	sor.u32 s0, s1  }
0x5: {  	s6 =	rddreg [dreg:$0x0];
	s4 =	simm.s32 $0x1;
	s2 =	sshll.u32 s1, $0x7  }
0x6: {  	s7 =	simm.s32 $0x2;
	s12 =	simm.s32 $0x0;
	s1 =	ssub.s32 $0x4000, s2  }
0x7: {  	s8 =	simm.s32 $0x20000;
	s13 =	simm.s32 $0x0;
	s3 =	sand.u32 $0xF80, s1  }
0x8: {  	s9 =	simm.s32 $0x0;
	s5 =	sshrl.u32 s1, $0xC;
	p0 =	sne.s32 s3, $0x0  }
.Ltmp0:
0x9: {  	s1 =	rddreg [dreg:$0x2];
	s4 =	simm.s32 @!p0 $0x0;
	(pc) =	sbr.rel .LBB1_1-.Ltmp0, $4  }
0xa: {  	s11 =	simm.s32 $0x0;
	s3 =	rddreg [dreg:$0x1];
	s5 =	sadd.s32 s4, s5  }
0xb: {  	_ =	strace $0x8000004A;
	s4 =	simm.s32 $0x1;
	s5 =	smul.u32 $0x64, s5  }
0xc: {  	s6 =	sadd.s32 $0x800, s6;
	s10 =	smov.u32 s2;
	[sflag:s4] =	ssyncpa.u1 $0x0  }
0xd: {  	p0 =	por $0x0, $0x0;
	[sflag:s7] =	ssyncpa.u1 $0x0;
	s7 =	sor.u32 $0x1, s5  }
.LBB1_4:
0xe: {  	s16 =	sshll.u32 s13, $0x3;
	s17 =	sand.u32 $0x78, s13  }
0xf: {  	s30 =	sand.u32 $0x1F800, s13;
	s12 =	sshll.u32 s12, $0x11;
	s16 =	sand.u32 $0x3C00, s16  }
0x10: {  	[tilespmem:s15+$0x810 ss:$0x81] =	vst.msk $0xffff, v2;
	s31 =	sand.u32 $0x7, s13;
	s16 =	sor.u32 s17, s16;
	s17 =	sadd.s32 s3, s30  }
0x11: {  	[tilespmem:s15+$0x1020 ss:$0x81] =	vst.msk $0xffff, v0;
	s13 =	sshll.u32 s31, $0x12;
	s12 =	sadd.s32 s12, s17;
	s16 =	sshrl.u32 s16, $0x3  }
0x12: {  	[tilespmem:s15+$0x0 ss:$0x81] =	vst.msk $0xffff, v1;
	s13 =	sor.u32 $0x400, s13;
	s12 =	sadd.s32 s16, s12  }
0x13: {  	[hbm4b:s12+s13] =	stream.strided.scatter [tilespmem:s14], [sflag:$0x2], $0x2000, s8, s13, $0x20;
	[tilespmem:$0x8080] =	vst v63  }
.LBB1_5:
0x14: {  	s14 =	sadd.s32 $0x1, s9  }
0x15: {  	s12 =	sadd.s32 $0x1000, s10;
	s16 =	smov.u32 s10;
	p2 =	sgt.s32 s14, $0x63  }
0x16: {  	s16 =	smov.u32 @p2 s12  }
0x17: {  	s14 =	simm.s32 @p2 $0x0;
	p2 =	sgt.s32 s16, $0x3FFF  }
0x18: {  	s16 =	smov.u32 @p2 s2;
	p2 =	sne.s32 s11, s7  }
.Ltmp1:
0x19: {  	p1 =	slt.u32 s11, $0x2;
	(pc) =	sbr.rel @!p2 .LBB1_6-.Ltmp1, $4  }
0x1a: {  	s15 =	simm.s32 @!p1 $0x2  }
0x1b: {  	s13 =	smov.u32 s10;
	p0 =	por !p0, !p0;
	_ =	swait.ge @!p1 [sflag:s15], $0x2000  }
0x1c: {  	s12 =	smov.u32 s9;
	[sflag:s15] =	ssyncset.done @!p1 $0x0;
	s9 =	smov.u32 s14  }
0x1d: {  	s11 =	sadd.s32 $0x1, s11;
	[sflag:s15] =	ssyncadd.s32 @!p1 $0xFFFFE000;
	s10 =	smov.u32 s16  }
.LBB1_1:
0x1e: {  	p1 =	sge.u32 s11, s5  }
0x1f: {  	s14 =	sand.u32 @!p1 $0x1FFFFFF, s9  }
0x20: {  	s15 =	smulhi.u32 @!p1 $0x2762763, s14;
	_ =	sdelay $0x1  }
0x21: {  	s15 =	smul.u32 @!p1 $0x68, s15  }
0x22: {  	s16 =	sxor.u32 @!p1 $0xFFFFFFFF, s11;
	s17 =	smul.u32 @!p1 $0x680, s10  }
0x23: {  	s31 =	sadd.s32 $0xFFFFFFFF, s11;
	s16 =	sshll.u32 @!p1 s16, $0xD;
	s14 =	ssub.s32 @!p1 s14, s15  }
0x24: {  	s15 =	sand.u32 @!p1 $0x2000, s16;
	s16 =	sadd.s32 @!p1 s6, s17;
	s14 =	sshll.u32 @!p1 s14, $0x4  }
0x25: {  	s17 =	simm.s32 @!p1 $0x3400;
	s14 =	sadd.s32 @!p1 s14, s16;
	s16 =	simm.s32 @!p1 $0x40  }
0x26: {  	[tilespmem:s15], [sflag:$0x1] =	stream.strided.gather @!p1 [hbm4b:s14+s16], $0x2000, s17, s16, $0x38;
	[tilespmem:$0x8080] =	vst v63  }
0x27: {  	p1 =	sge.u32 s31, s5  }
.Ltmp2:
0x28: {  	_ = 	snop;
	(pc) =	sbr.rel @p1 .LBB1_5-.Ltmp2, $1  }
0x29: {  	_ =	sdelay $0x3  }
0x2a: {  	s14 =	simm.s32 $0x1  }
0x2b: {  	_ =	swait.ge [sflag:s4], $0x2000;
	s14 =	simm.s32 @!p0 $0x0  }
0x2c: {  	[sflag:s4] =	ssyncset.done $0x0;
	s15 =	sshll.u32 s14, $0xD  }
0x2d: {  	[sflag:s4] =	ssyncadd.s32 $0xFFFFE000;
	s18 =	sor.u32 $0x20, s15  }
0x2e: {  	s14 =	smul.u32 $0x8100, s14;
	v3 =	vld [tilespmem:s18+$0x10]  }
0x2f: {  	s30 =	sand.u32 $0x1, s11;
	v2 =	vld [tilespmem:s18+$0xFFFFFFF0]  }
0x30: {  	s15 =	smul.u32 $0x8100, s30;
	s14 =	sshrl.u32 s14, $0x2;
	v0 =	vld [tilespmem:s18+$0x0]  }
0x31: {  	v1 =	vld [tilespmem:s18+$0xFFFFFFE0];
	s16 =	sor.u32 $0x4000, s14  }
0x32: {  	s31 =	sshrl.u32 s15, $0x2;
	s15 =	sadd.s32 $0x0, s16  }
0x33: {  	s17 =	simm.s32 $0x4;
	s18 =	sadd.s32 $0x40, s18;
	s14 =	sor.u32 $0x4000, s31;
	[tilespmem:s15+$0x1830 ss:$0x81] =	vst.msk $0xffff, v3  }
.LBB1_3:
0x34: {  	v3 =	vld [tilespmem:s18+$0x10];
	p1 =	sne.s32 s17, $0x1FC;
	[tilespmem:s15+$0x810 ss:$0x81] =	vst.msk $0xffff, v2;
	s19 =	smov.u32 s17;
	s17 =	sadd.s32 $0x4, s17  }
.Ltmp3:
0x35: {  	v2 =	vld [tilespmem:s18+$0xFFFFFFF0];
	[tilespmem:s15+$0x1020 ss:$0x81] =	vst.msk $0xffff, v0;
	(pc) =	sbr.rel @p1 .LBB1_3-.Ltmp3, $4  }
0x36: {  	v0 =	vld [tilespmem:s18+$0x0];
	[tilespmem:s15+$0x0 ss:$0x81] =	vst.msk $0xffff, v1  }
0x37: {  	s15 =	sshra.s32 s19, $0x2;
	v1 =	vld [tilespmem:s18+$0xFFFFFFE0]  }
0x38: {  	s15 =	sadd.s32 s15, s16  }
0x39: {  	s18 =	sadd.s32 $0x40, s18;
	[tilespmem:s15+$0x1830 ss:$0x81] =	vst.msk $0xffff, v3  }
.Ltmp4:
0x3a: {  	_ = 	snop;
	(pc) =	sbr.rel .LBB1_4-.Ltmp4, $1  }
0x3b: {  	_ =	sdelay $0x3  }
.LBB1_6:
0x3c: {  	_ =	sfence.sel $0x180000  }
0x3d: {  	s2 =	simm.s32 $0x1;
	[bflag:$0x0] =	sbarrier.arrive $0xFFFF  }
0x3e: {  	s31 =	simm.s32 $0x2;
	[sflag:s2] =	ssyncpa.u1 $0x1  }
0x3f: {  	[sflag:s31] =	ssyncpa.u1 $0x1  }
0x40: {  	p0 =	sne.s32 s0, $0x0;
	_ =	strace $0x9000004A  }
0x41: {  	s0 =	sadd.s32 @!p0 $0x100000, s1;
	[bflag:$0x2] =	sbarrier.arrive $0xFFFF  }
0x42: {  	[sflag:s0] =	ssyncadd.tile.s32 @!p0 $0x1;
	_ =	shalt  }
.Lfunc_end1:
_tile_overlayer_lowered:
.L_overlay_start_2:
0x43: {  	(tag) =	ssettag $0x2  }
0x44: {  	s0 =	rddreg [dreg:$0x0];
	s2 =	stileid.u32  }
0x45: {  	s1 =	rddreg [dreg:$0x1];
	p0 =	sne.s32 s2, $0x0  }
0x46: {  	s3 =	rddreg [dreg:$0x2];
	[bflag:$0x3] =	sbarrier.arrive $0xFFFF;
	s2 =	simm.s32 @!p0 $0x1C01  }
0x47: {  	[timem:s3], [sflag:s2] =	dma.local @!p0 [hbm:s0], s1  }
0x48: {  	s0 =	simm.s32 @!p0 $0x1  }
0x49: {  	_ =	swait.ge @!p0 [sflag:s0], s1  }
0x4a: {  	s1 =	ssub.s32 @!p0 $0x0, s1;
	[sflag:s0] =	ssyncset.done @!p0 $0x0  }
0x4b: {  	[sflag:s0] =	ssyncadd.s32 @!p0 s1  }
0x4c: {  	[bflag:$0x3] =	sbarrier.arrive $0xFFFF  }
0x4d: {  	_ =	shalt  }

</sc_bundles>
